<compile_context>
chip_gen: v7x
topology: tpu7x:2x2x1
jax: 0.10.2.dev20260603
libtpu: 0.0.44.dev20260713+nightly
codegen_flags: <defaults>
</compile_context>

<pallas_src>
import functools

import jax
import jax.numpy as jnp
import numpy as np
from jax import lax
from jax.experimental import pallas as pl
from jax.experimental.pallas import tpu as pltpu
from jax.experimental.pallas import tpu_sc as plsc

N = 4194304
G = 65536
EPS = np.float32(0.1)

NC = 2
NS = 16
L = 16
NW = NC * NS
GPW = G // NW
EPW = N // NW
P = 2048
W = 8192
MW = EPW // 4

_IOTA = lambda: lax.iota(jnp.int32, L)

_GDN = lax.GatherDimensionNumbers(
    offset_dims=(), collapsed_slice_dims=(0,), start_index_map=(0,))


def _perm(v, idx):
    return lax.gather(v, idx[:, None], _GDN, (1,),
                      mode=lax.GatherScatterMode.PROMISE_IN_BOUNDS)


def _wid():
    return lax.axis_index("s") * NC + lax.axis_index("c")


def _k1_body(av_hbm, idx_hbm, rg_hbm, re_hbm,
             q_out, act_out, cg_out,
             probe_v, ibuf, e_v, st_v, ct_v, win, cg_v, act_v, q_v,
             rg_v, re_v, sem):
    wid = _wid()
    g0 = wid * GPW
    iota = _IOTA()

    tgt = jnp.where(iota < 1, g0, g0 + GPW)
    lo = jnp.zeros((L,), jnp.int32)
    hi = jnp.full((L,), N, jnp.int32)

    def bs_step(_, c):
        lo, hi = c
        active = lo < hi
        mid = jnp.minimum((lo + hi) >> 1, N - 1)
        pltpu.async_copy(idx_hbm.at[mid], probe_v, sem).wait()
        val = probe_v[...]
        go_up = active & (val < tgt)
        lo = jnp.where(go_up, mid + 1, lo)
        hi = jnp.where(active & jnp.logical_not(go_up), mid, hi)
        return lo, hi

    lo, hi = lax.fori_loop(0, 23, bs_step, (lo, hi))
    neg1 = jnp.full((L,), -1, jnp.int32)
    s0 = jnp.max(jnp.where(iota == 0, lo, neg1))
    s1 = jnp.max(jnp.where(iota == 1, lo, neg1))

    zeros16 = jnp.zeros((L,), jnp.int32)
    def zero_step(j, _):
        e_v[pl.ds(j * L, L)] = zeros16
        return 0
    lax.fori_loop(0, GPW // L, zero_step, 0)

    shift_idx = jnp.minimum(iota + 1, L - 1)
    g0v = jnp.full((L,), g0, jnp.int32)

    def piece_body(c):
        base = c
        b = pl.multiple_of(jnp.minimum(base, N - P), 8)
        pltpu.sync_copy(idx_hbm.at[pl.ds(b, P)], ibuf)

        def vstep(j, _):
            off = j * L
            gg = ibuf[pl.ds(off, L)]
            nxt = _perm(gg, shift_idx)
            last = (nxt != gg) | (iota == L - 1)
            gpos = b + off + iota
            gl = gg - g0v
            inr = (gl >= 0) & (gl < GPW) & (gpos >= base)
            plsc.store_scatter(e_v, [jnp.clip(gl, 0, GPW - 1)],
                               gpos + 1, mask=last & inr)
            return 0

        lax.fori_loop(0, P // L, vstep, 0)
        return base + P

    lax.while_loop(lambda c: c < s1, piece_body,
                   pl.multiple_of((s0 >> 3) << 3, 8))

    def cm_step(j, carry):
        off = j * L
        ev = e_v[pl.ds(off, L)]
        cv = jnp.maximum(plsc.cummax(ev), jnp.full((L,), carry, jnp.int32))
        sh = _perm(cv, jnp.maximum(iota - 1, 0))
        sh = jnp.where(iota == 0, jnp.full((L,), carry, jnp.int32), sh)
        st_v[pl.ds(off, L)] = sh
        ct_v[pl.ds(off, L)] = cv - sh
        return jnp.max(cv)

    lax.fori_loop(0, GPW // L, cm_step, s0)

    pltpu.sync_copy(rg_hbm.at[pl.ds(wid * GPW, GPW)], rg_v)
    pltpu.sync_copy(re_hbm.at[pl.ds(wid * GPW, GPW)], re_v)
    ninf = jnp.full((L,), -jnp.inf, jnp.float32)

    def batch_step(bi, _):
        off = bi * L
        st = st_v[pl.ds(off, L)]
        ct = ct_v[pl.ds(off, L)]

        def round_cond(c):
            ks, m, am, base = c
            return jnp.any(ks < ct)

        def round_body(c):
            ks, m, am, base = c
            b = pl.multiple_of(jnp.minimum(base, N - W), 8)
            pltpu.sync_copy(av_hbm.at[pl.ds(b, W)], win)
            hiv = jnp.clip(b + W - st, 0, ct)
            steps = jnp.max(hiv - ks)

            def kstep(t, mc):
                m, am = mc
                k = ks + t
                valid = k < hiv
                idxw = jnp.clip(st + k - b, 0, W - 1)
                v = plsc.load_gather(win, [idxw], mask=valid)
                upd = valid & (v > m)
                return (jnp.where(upd, v, m), jnp.where(upd, k, am))

            m, am = lax.fori_loop(0, steps, kstep, (m, am))
            return hiv, m, am, base + W

        base0 = pl.multiple_of((jnp.min(st) >> 3) << 3, 8)
        ks0 = jnp.zeros((L,), jnp.int32)
        am0 = (N - 1) - st
        _, m, am, _ = lax.while_loop(round_cond, round_body,
                                     (ks0, ninf, am0, base0))

        rg16 = rg_v[pl.ds(off, L)]
        re16 = re_v[pl.ds(off, L)]
        rl = (rg16 * ct.astype(jnp.float32)).astype(jnp.int32)
        rl = jnp.minimum(rl, jnp.maximum(ct - 1, 0))
        ag = re16 > EPS
        act_v[pl.ds(off, L)] = jnp.where(ag, am, rl)
        cg = jnp.where(ag, st + am, st + rl)
        cg_v[pl.ds(off, L)] = jnp.clip(cg, 0, N - 1)
        return 0

    lax.fori_loop(0, GPW // L, batch_step, 0)

    pltpu.async_copy(av_hbm.at[cg_v], q_v, sem).wait()
    pltpu.sync_copy(q_v, q_out.at[pl.ds(wid * GPW, GPW)])
    pltpu.sync_copy(act_v, act_out.at[pl.ds(wid * GPW, GPW)])
    pltpu.sync_copy(cg_v, cg_out.at[pl.ds(wid * GPW, GPW)])


def _k2_body(cg_hbm, m32_out, cbuf, mbuf, sem):
    wid = _wid()
    zeros16 = jnp.zeros((L,), jnp.int32)
    ones16 = jnp.full((L,), 1, jnp.int32)
    SP = EPW // 4
    CP = 4096

    def sub_step(sp, _):
        lo_el = wid * EPW + sp * SP

        def zero_step(j, _):
            mbuf[pl.ds(j * L, L)] = zeros16
            return 0
        lax.fori_loop(0, SP // L, zero_step, 0, unroll=8)

        def piece_step(pi, _):
            pltpu.sync_copy(cg_hbm.at[pl.ds(pi * CP, CP)], cbuf)

            def vstep(j, _):
                p = cbuf[pl.ds(j * L, L)] - lo_el
                inr = (p >= 0) & (p < SP)
                plsc.store_scatter(mbuf, [jnp.clip(p, 0, SP - 1)],
                                   ones16, mask=inr)
                return 0

            lax.fori_loop(0, CP // L, vstep, 0, unroll=4)
            return 0

        lax.fori_loop(0, G // CP, piece_step, 0)
        pltpu.sync_copy(mbuf, m32_out.at[pl.ds(lo_el, SP)])
        return 0

    lax.fori_loop(0, 4, sub_step, 0)


_MESH = plsc.VectorSubcoreMesh(core_axis_name="c", subcore_axis_name="s")
_CP = pltpu.CompilerParams(needs_layout_passes=False)

_k1 = functools.partial(
    pl.kernel,
    out_type=(
        jax.ShapeDtypeStruct((G,), jnp.float32),
        jax.ShapeDtypeStruct((G,), jnp.int32),
        jax.ShapeDtypeStruct((G,), jnp.int32),
    ),
    mesh=_MESH,
    compiler_params=_CP,
    scratch_types=[
        pltpu.VMEM((L,), jnp.int32),
        pltpu.VMEM((P,), jnp.int32),
        pltpu.VMEM((GPW,), jnp.int32),
        pltpu.VMEM((GPW,), jnp.int32),
        pltpu.VMEM((GPW,), jnp.int32),
        pltpu.VMEM((W,), jnp.float32),
        pltpu.VMEM((GPW,), jnp.int32),
        pltpu.VMEM((GPW,), jnp.int32),
        pltpu.VMEM((GPW,), jnp.float32),
        pltpu.VMEM((GPW,), jnp.float32),
        pltpu.VMEM((GPW,), jnp.float32),
        pltpu.SemaphoreType.DMA,
    ],
)(_k1_body)

_k2 = functools.partial(
    pl.kernel,
    out_type=jax.ShapeDtypeStruct((N,), jnp.int32),
    mesh=_MESH,
    compiler_params=_CP,
    scratch_types=[
        pltpu.VMEM((4096,), jnp.int32),
        pltpu.VMEM((EPW // 4,), jnp.int32),
        pltpu.SemaphoreType.DMA,
    ],
)(_k2_body)


def kernel(action_values, index, rand_group, rand_eps):
    chosen_q, actions, chosen_global = _k1(action_values, index,
                                           rand_group, rand_eps)
    action_mask = _k2(chosen_global).astype(jnp.bool_)
    return (chosen_q, actions, action_mask)

# --- scband reference (transcript-rebuilt; emitter-appended) ---
"""Pipeline reference for scband-dqn-24232205484255 (READ-ONLY COPY).

The authoritative reference and input builder live on the scoring server;
editing this copy changes nothing except your own understanding.
"""

import jax, jax.numpy as jnp
import numpy as np

N = 4194304
G = 65536
EPS = 0.1


def setup_inputs(seed: int = 0) -> dict:
    key = jax.random.key(seed)
    k1, k2, k3, k4 = jax.random.split(key, 4)
    action_values = jax.random.normal(k1, (N,), dtype=jnp.float32)
    index = jnp.sort(jax.random.randint(k2, (N,), 0, G))
    rand_group = jax.random.uniform(k3, (G,), dtype=jnp.float32)
    rand_eps = jax.random.uniform(k4, (G,), dtype=jnp.float32)
    return {"action_values": action_values, "index": index,
            "rand_group": rand_group, "rand_eps": rand_eps}


def reference(action_values, index, rand_group, rand_eps):
    # group_argmax: per-agent-group greedy action (first index attaining the max)
    seg_max = jax.ops.segment_max(action_values, index, num_segments=G)
    is_max = action_values == seg_max[index]
    ar = jnp.arange(N, dtype=jnp.int32)
    greedy_global = jax.ops.segment_min(jnp.where(is_max, ar, N), index, num_segments=G)
    greedy_global = jnp.clip(greedy_global, 0, N - 1)
    # group offsets (CSR-style starts) from segment ids
    counts = jnp.bincount(index, length=G)
    starts = (jnp.cumsum(counts) - counts).astype(jnp.int32)
    greedy_local = greedy_global - starts
    # GroupCategorical(logits=ones) sample == uniform action within each group
    rand_local = jnp.floor(rand_group * counts.astype(jnp.float32)).astype(jnp.int32)
    rand_local = jnp.minimum(rand_local, jnp.maximum(counts.astype(jnp.int32) - 1, 0))
    random_global = starts + rand_local
    # epsilon-greedy mixing
    act_greedy = rand_eps > EPS
    actions = jnp.where(act_greedy, greedy_local, rand_local)
    chosen_global = jnp.where(act_greedy, greedy_global, random_global)
    chosen_global = jnp.clip(chosen_global, 0, N - 1)
    # gather chosen q-values (used downstream as q_predictions)
    chosen_q = action_values[chosen_global]
    # action_indices_bool: scatter-overwrite of ones at chosen indices
    action_mask = jnp.zeros((N,), dtype=jnp.float32).at[chosen_global].set(1.0).astype(jnp.bool_)
    return (chosen_q, actions, action_mask)

if __name__ == "__main__":
    import jax
    _d = setup_inputs()
    print(jax.jit(kernel)(*tuple(_d.values())))

</pallas_src>

<mosaic_0001>
#map = affine_map<(d0, d1) -> (0)>
module attributes {stable_mosaic.version = 14 : i64} {
  func.func @_k2_body(%arg0: i32, %arg1: i32, %arg2: memref<65536xi32, #tpu.memory_space<hbm>>, %arg3: memref<4194304xi32, #tpu.memory_space<hbm>>, %arg4: memref<4096xi32, #tpu.memory_space<vmem>>, %arg5: memref<32768xi32, #tpu.memory_space<vmem>>, %arg6: memref<!tpu.dma_semaphore, #tpu.memory_space<semaphore_mem>>) attributes {dimension_semantics = [#tpu.dimension_semantics<core_parallel>, #tpu.dimension_semantics<subcore_parallel>], iteration_bounds = array<i64: 2, 16>, scalar_prefetch = 0 : i64, scratch_operands = 3 : i64, tpu.core_type = #tpu.core_type<sc_vector_subcore>, window_params = [{transform_indices = #map}, {transform_indices = #map}]} {
    %mul3A = arith.constant 2 : i32
    %mul3A_0 = arith.muli %arg1, %mul3A : i32
    %add3A = arith.addi %mul3A_0, %arg0 : i32
    %broadcast_in_dim3A = arith.constant 0 : i32
    %broadcast_in_dim3A_1 = vector.broadcast %broadcast_in_dim3A : i32 to vector<16xi32>
    %broadcast_in_dim3A_2 = arith.constant 1 : i32
    %broadcast_in_dim3A_3 = vector.broadcast %broadcast_in_dim3A_2 : i32 to vector<16xi32>
    %scan3A = arith.constant 0 : i32
    %scan3A_4 = arith.constant 0 : i32
    %scan3A_5 = arith.constant 4 : i32
    %scan3A_6 = arith.addi %scan3A_4, %scan3A_5 : i32
    %scan3A_7 = arith.constant 1 : i32
    %scan3A_8 = scf.for %scan3A_10 = %scan3A_4 to %scan3A_6 step %scan3A_7 iter_args(%scan3A_11 = %scan3A) -> (i32)  : i32 {
      %mul3A_12 = arith.constant 131072 : i32
      %mul3A_13 = arith.muli %add3A, %mul3A_12 : i32
      %mul3A_14 = arith.constant 32768 : i32
      %mul3A_15 = arith.muli %scan3A_10, %mul3A_14 : i32
      %add3A_16 = arith.addi %mul3A_13, %mul3A_15 : i32
      %scan3A_17 = arith.constant 0 : i32
      %scan3A_18 = arith.constant 0 : i32
      %scan3A_19 = arith.constant 2048 : i32
      %scan3A_20 = arith.addi %scan3A_18, %scan3A_19 : i32
      %scan3A_21 = arith.constant 8 : i32
      %scan3A_22 = scf.for %scan3A_32 = %scan3A_18 to %scan3A_20 step %scan3A_21 iter_args(%scan3A_33 = %scan3A_17) -> (i32)  : i32 {
        %mul3A_34 = arith.constant 16 : i32
        %mul3A_35 = arith.muli %scan3A_32, %mul3A_34 : i32
        %swap3A = arith.index_cast %mul3A_35 : i32 to index
        %swap3A_36 = tpu.vector_load %arg5[%swap3A] {strides = array<i32>} : memref<32768xi32, #tpu.memory_space<vmem>>, vector<16xi32>,
        tpu.vector_store %arg5[%swap3A], %broadcast_in_dim3A_1 {strides = array<i32>} : memref<32768xi32, #tpu.memory_space<vmem>>, vector<16xi32>,
        %scan3A_37 = arith.constant 0 : i32
        %scan3A_38 = arith.constant 1 : i32
        %scan3A_39 = arith.addi %scan3A_32, %scan3A_38 : i32
        %mul3A_40 = arith.constant 16 : i32
        %mul3A_41 = arith.muli %scan3A_39, %mul3A_40 : i32
        %swap3A_42 = arith.index_cast %mul3A_41 : i32 to index
        %swap3A_43 = tpu.vector_load %arg5[%swap3A_42] {strides = array<i32>} : memref<32768xi32, #tpu.memory_space<vmem>>, vector<16xi32>,
        tpu.vector_store %arg5[%swap3A_42], %broadcast_in_dim3A_1 {strides = array<i32>} : memref<32768xi32, #tpu.memory_space<vmem>>, vector<16xi32>,
        %scan3A_44 = arith.constant 0 : i32
        %scan3A_45 = arith.constant 2 : i32
        %scan3A_46 = arith.addi %scan3A_32, %scan3A_45 : i32
        %mul3A_47 = arith.constant 16 : i32
        %mul3A_48 = arith.muli %scan3A_46, %mul3A_47 : i32
        %swap3A_49 = arith.index_cast %mul3A_48 : i32 to index
        %swap3A_50 = tpu.vector_load %arg5[%swap3A_49] {strides = array<i32>} : memref<32768xi32, #tpu.memory_space<vmem>>, vector<16xi32>,
        tpu.vector_store %arg5[%swap3A_49], %broadcast_in_dim3A_1 {strides = array<i32>} : memref<32768xi32, #tpu.memory_space<vmem>>, vector<16xi32>,
        %scan3A_51 = arith.constant 0 : i32
        %scan3A_52 = arith.constant 3 : i32
        %scan3A_53 = arith.addi %scan3A_32, %scan3A_52 : i32
        %mul3A_54 = arith.constant 16 : i32
        %mul3A_55 = arith.muli %scan3A_53, %mul3A_54 : i32
        %swap3A_56 = arith.index_cast %mul3A_55 : i32 to index
        %swap3A_57 = tpu.vector_load %arg5[%swap3A_56] {strides = array<i32>} : memref<32768xi32, #tpu.memory_space<vmem>>, vector<16xi32>,
        tpu.vector_store %arg5[%swap3A_56], %broadcast_in_dim3A_1 {strides = array<i32>} : memref<32768xi32, #tpu.memory_space<vmem>>, vector<16xi32>,
        %scan3A_58 = arith.constant 0 : i32
        %scan3A_59 = arith.constant 4 : i32
        %scan3A_60 = arith.addi %scan3A_32, %scan3A_59 : i32
        %mul3A_61 = arith.constant 16 : i32
        %mul3A_62 = arith.muli %scan3A_60, %mul3A_61 : i32
        %swap3A_63 = arith.index_cast %mul3A_62 : i32 to index
        %swap3A_64 = tpu.vector_load %arg5[%swap3A_63] {strides = array<i32>} : memref<32768xi32, #tpu.memory_space<vmem>>, vector<16xi32>,
        tpu.vector_store %arg5[%swap3A_63], %broadcast_in_dim3A_1 {strides = array<i32>} : memref<32768xi32, #tpu.memory_space<vmem>>, vector<16xi32>,
        %scan3A_65 = arith.constant 0 : i32
        %scan3A_66 = arith.constant 5 : i32
        %scan3A_67 = arith.addi %scan3A_32, %scan3A_66 : i32
        %mul3A_68 = arith.constant 16 : i32
        %mul3A_69 = arith.muli %scan3A_67, %mul3A_68 : i32
        %swap3A_70 = arith.index_cast %mul3A_69 : i32 to index
        %swap3A_71 = tpu.vector_load %arg5[%swap3A_70] {strides = array<i32>} : memref<32768xi32, #tpu.memory_space<vmem>>, vector<16xi32>,
        tpu.vector_store %arg5[%swap3A_70], %broadcast_in_dim3A_1 {strides = array<i32>} : memref<32768xi32, #tpu.memory_space<vmem>>, vector<16xi32>,
        %scan3A_72 = arith.constant 0 : i32
        %scan3A_73 = arith.constant 6 : i32
        %scan3A_74 = arith.addi %scan3A_32, %scan3A_73 : i32
        %mul3A_75 = arith.constant 16 : i32
        %mul3A_76 = arith.muli %scan3A_74, %mul3A_75 : i32
        %swap3A_77 = arith.index_cast %mul3A_76 : i32 to index
        %swap3A_78 = tpu.vector_load %arg5[%swap3A_77] {strides = array<i32>} : memref<32768xi32, #tpu.memory_space<vmem>>, vector<16xi32>,
        tpu.vector_store %arg5[%swap3A_77], %broadcast_in_dim3A_1 {strides = array<i32>} : memref<32768xi32, #tpu.memory_space<vmem>>, vector<16xi32>,
        %scan3A_79 = arith.constant 0 : i32
        %scan3A_80 = arith.constant 7 : i32
        %scan3A_81 = arith.addi %scan3A_32, %scan3A_80 : i32
        %mul3A_82 = arith.constant 16 : i32
        %mul3A_83 = arith.muli %scan3A_81, %mul3A_82 : i32
        %swap3A_84 = arith.index_cast %mul3A_83 : i32 to index
        %swap3A_85 = tpu.vector_load %arg5[%swap3A_84] {strides = array<i32>} : memref<32768xi32, #tpu.memory_space<vmem>>, vector<16xi32>,
        tpu.vector_store %arg5[%swap3A_84], %broadcast_in_dim3A_1 {strides = array<i32>} : memref<32768xi32, #tpu.memory_space<vmem>>, vector<16xi32>,
        %scan3A_86 = arith.constant 0 : i32
        scf.yield %scan3A_86 : i32
      }
      %scan3A_23 = arith.constant 2048 : i32
      %scan3A_24 = arith.constant 0 : i32
      %scan3A_25 = arith.constant 0 : i32
      %scan3A_26 = arith.constant 16 : i32
      %scan3A_27 = arith.addi %scan3A_25, %scan3A_26 : i32
      %scan3A_28 = arith.constant 1 : i32
      %scan3A_29 = scf.for %scan3A_32 = %scan3A_25 to %scan3A_27 step %scan3A_28 iter_args(%scan3A_33 = %scan3A_24) -> (i32)  : i32 {
        %mul3A_34 = arith.constant 4096 : i32
        %mul3A_35 = arith.muli %scan3A_32, %mul3A_34 : i32
        "tpu.region"() ({
          %run_scoped3A = tpu.sem_alloc : memref<!tpu.dma_semaphore, #tpu.memory_space<semaphore_mem>>
          %dma_start3A = tpu.memref_slice %arg2[%mul3A_35] : memref<65536xi32, #tpu.memory_space<hbm>> -> memref<4096xi32, #tpu.memory_space<hbm>>
          %dma_start3A_44 = tpu.memref_slice %arg2[%mul3A_35] : memref<65536xi32, #tpu.memory_space<hbm>> -> memref<4096xi32, #tpu.memory_space<hbm>>
          tpu.enqueue_dma source(%dma_start3A_44 : memref<4096xi32, #tpu.memory_space<hbm>>) target(%arg4 : memref<4096xi32, #tpu.memory_space<vmem>>) target_semaphore(%run_scoped3A : memref<!tpu.dma_semaphore, #tpu.memory_space<semaphore_mem>>)
          %dma_wait3A = tpu.memref_slice %arg2[%mul3A_35] : memref<65536xi32, #tpu.memory_space<hbm>> -> memref<4096xi32, #tpu.memory_space<hbm>>
          %dma_wait3A_45 = tpu.memref_slice %arg2[%mul3A_35] : memref<65536xi32, #tpu.memory_space<hbm>> -> memref<4096xi32, #tpu.memory_space<hbm>>
          tpu.wait_dma2 semaphore(%run_scoped3A : memref<!tpu.dma_semaphore, #tpu.memory_space<semaphore_mem>>) src(%dma_wait3A_45 : memref<4096xi32, #tpu.memory_space<hbm>>) dst(%arg4 : memref<4096xi32, #tpu.memory_space<vmem>>)
          tpu.yield
        }) : () -> ()
        %scan3A_36 = arith.constant 0 : i32
        %scan3A_37 = arith.constant 0 : i32
        %scan3A_38 = arith.constant 256 : i32
        %scan3A_39 = arith.addi %scan3A_37, %scan3A_38 : i32
        %scan3A_40 = arith.constant 4 : i32
        %scan3A_41 = scf.for %scan3A_44 = %scan3A_37 to %scan3A_39 step %scan3A_40 iter_args(%scan3A_45 = %scan3A_36) -> (i32)  : i32 {
          %mul3A_46 = arith.constant 16 : i32
          %mul3A_47 = arith.muli %scan3A_44, %mul3A_46 : i32
          %get3A = arith.index_cast %mul3A_47 : i32 to index
          %get3A_48 = tpu.vector_load %arg4[%get3A] {strides = array<i32>} : memref<4096xi32, #tpu.memory_space<vmem>>, vector<16xi32>,
          %sub3A = vector.broadcast %add3A_16 : i32 to vector<16xi32>
          %sub3A_49 = arith.subi %get3A_48, %sub3A : vector<16xi32>
          %ge3A = arith.constant 0 : i32
          %ge3A_50 = vector.broadcast %ge3A : i32 to vector<16xi32>
          %ge3A_51 = arith.cmpi sge, %sub3A_49, %ge3A_50 : vector<16xi32>
          %lt3A = arith.constant 32768 : i32
          %lt3A_52 = vector.broadcast %lt3A : i32 to vector<16xi32>
          %lt3A_53 = arith.cmpi slt, %sub3A_49, %lt3A_52 : vector<16xi32>
          %and3A = arith.andi %ge3A_51, %lt3A_53 : vector<16xi1>
          %jit3A = arith.constant 0 : i32
          %jit3A_54 = arith.constant 32767 : i32
          %max3A = vector.broadcast %jit3A : i32 to vector<16xi32>
          %max3A_55 = arith.maxsi %max3A, %sub3A_49 : vector<16xi32>
          %min3A = vector.broadcast %jit3A_54 : i32 to vector<16xi32>
          %min3A_56 = arith.minsi %min3A, %max3A_55 : vector<16xi32>
          tpu.vector_store_idx %arg5[%min3A_56], %broadcast_in_dim3A_3 masked %and3A : memref<32768xi32, #tpu.memory_space<vmem>>[vector<16xi32>], vector<16xi32>, vector<16xi1>
          %scan3A_57 = arith.constant 0 : i32
          %scan3A_58 = arith.constant 1 : i32
          %scan3A_59 = arith.addi %scan3A_44, %scan3A_58 : i32
          %mul3A_60 = arith.constant 16 : i32
          %mul3A_61 = arith.muli %scan3A_59, %mul3A_60 : i32
          %get3A_62 = arith.index_cast %mul3A_61 : i32 to index
          %get3A_63 = tpu.vector_load %arg4[%get3A_62] {strides = array<i32>} : memref<4096xi32, #tpu.memory_space<vmem>>, vector<16xi32>,
          %sub3A_64 = vector.broadcast %add3A_16 : i32 to vector<16xi32>
          %sub3A_65 = arith.subi %get3A_63, %sub3A_64 : vector<16xi32>
          %ge3A_66 = arith.constant 0 : i32
          %ge3A_67 = vector.broadcast %ge3A_66 : i32 to vector<16xi32>
          %ge3A_68 = arith.cmpi sge, %sub3A_65, %ge3A_67 : vector<16xi32>
          %lt3A_69 = arith.constant 32768 : i32
          %lt3A_70 = vector.broadcast %lt3A_69 : i32 to vector<16xi32>
          %lt3A_71 = arith.cmpi slt, %sub3A_65, %lt3A_70 : vector<16xi32>
          %and3A_72 = arith.andi %ge3A_68, %lt3A_71 : vector<16xi1>
          %jit3A_73 = arith.constant 0 : i32
          %jit3A_74 = arith.constant 32767 : i32
          %max3A_75 = vector.broadcast %jit3A_73 : i32 to vector<16xi32>
          %max3A_76 = arith.maxsi %max3A_75, %sub3A_65 : vector<16xi32>
          %min3A_77 = vector.broadcast %jit3A_74 : i32 to vector<16xi32>
          %min3A_78 = arith.minsi %min3A_77, %max3A_76 : vector<16xi32>
          tpu.vector_store_idx %arg5[%min3A_78], %broadcast_in_dim3A_3 masked %and3A_72 : memref<32768xi32, #tpu.memory_space<vmem>>[vector<16xi32>], vector<16xi32>, vector<16xi1>
          %scan3A_79 = arith.constant 0 : i32
          %scan3A_80 = arith.constant 2 : i32
          %scan3A_81 = arith.addi %scan3A_44, %scan3A_80 : i32
          %mul3A_82 = arith.constant 16 : i32
          %mul3A_83 = arith.muli %scan3A_81, %mul3A_82 : i32
          %get3A_84 = arith.index_cast %mul3A_83 : i32 to index
          %get3A_85 = tpu.vector_load %arg4[%get3A_84] {strides = array<i32>} : memref<4096xi32, #tpu.memory_space<vmem>>, vector<16xi32>,
          %sub3A_86 = vector.broadcast %add3A_16 : i32 to vector<16xi32>
          %sub3A_87 = arith.subi %get3A_85, %sub3A_86 : vector<16xi32>
          %ge3A_88 = arith.constant 0 : i32
          %ge3A_89 = vector.broadcast %ge3A_88 : i32 to vector<16xi32>
          %ge3A_90 = arith.cmpi sge, %sub3A_87, %ge3A_89 : vector<16xi32>
          %lt3A_91 = arith.constant 32768 : i32
          %lt3A_92 = vector.broadcast %lt3A_91 : i32 to vector<16xi32>
          %lt3A_93 = arith.cmpi slt, %sub3A_87, %lt3A_92 : vector<16xi32>
          %and3A_94 = arith.andi %ge3A_90, %lt3A_93 : vector<16xi1>
          %jit3A_95 = arith.constant 0 : i32
          %jit3A_96 = arith.constant 32767 : i32
          %max3A_97 = vector.broadcast %jit3A_95 : i32 to vector<16xi32>
          %max3A_98 = arith.maxsi %max3A_97, %sub3A_87 : vector<16xi32>
          %min3A_99 = vector.broadcast %jit3A_96 : i32 to vector<16xi32>
          %min3A_100 = arith.minsi %min3A_99, %max3A_98 : vector<16xi32>
          tpu.vector_store_idx %arg5[%min3A_100], %broadcast_in_dim3A_3 masked %and3A_94 : memref<32768xi32, #tpu.memory_space<vmem>>[vector<16xi32>], vector<16xi32>, vector<16xi1>
          %scan3A_101 = arith.constant 0 : i32
          %scan3A_102 = arith.constant 3 : i32
          %scan3A_103 = arith.addi %scan3A_44, %scan3A_102 : i32
          %mul3A_104 = arith.constant 16 : i32
          %mul3A_105 = arith.muli %scan3A_103, %mul3A_104 : i32
          %get3A_106 = arith.index_cast %mul3A_105 : i32 to index
          %get3A_107 = tpu.vector_load %arg4[%get3A_106] {strides = array<i32>} : memref<4096xi32, #tpu.memory_space<vmem>>, vector<16xi32>,
          %sub3A_108 = vector.broadcast %add3A_16 : i32 to vector<16xi32>
          %sub3A_109 = arith.subi %get3A_107, %sub3A_108 : vector<16xi32>
          %ge3A_110 = arith.constant 0 : i32
          %ge3A_111 = vector.broadcast %ge3A_110 : i32 to vector<16xi32>
          %ge3A_112 = arith.cmpi sge, %sub3A_109, %ge3A_111 : vector<16xi32>
          %lt3A_113 = arith.constant 32768 : i32
          %lt3A_114 = vector.broadcast %lt3A_113 : i32 to vector<16xi32>
          %lt3A_115 = arith.cmpi slt, %sub3A_109, %lt3A_114 : vector<16xi32>
          %and3A_116 = arith.andi %ge3A_112, %lt3A_115 : vector<16xi1>
          %jit3A_117 = arith.constant 0 : i32
          %jit3A_118 = arith.constant 32767 : i32
          %max3A_119 = vector.broadcast %jit3A_117 : i32 to vector<16xi32>
          %max3A_120 = arith.maxsi %max3A_119, %sub3A_109 : vector<16xi32>
          %min3A_121 = vector.broadcast %jit3A_118 : i32 to vector<16xi32>
          %min3A_122 = arith.minsi %min3A_121, %max3A_120 : vector<16xi32>
          tpu.vector_store_idx %arg5[%min3A_122], %broadcast_in_dim3A_3 masked %and3A_116 : memref<32768xi32, #tpu.memory_space<vmem>>[vector<16xi32>], vector<16xi32>, vector<16xi1>
          %scan3A_123 = arith.constant 0 : i32
          scf.yield %scan3A_123 : i32
        }
        %scan3A_42 = arith.constant 256 : i32
        %scan3A_43 = arith.constant 0 : i32
        scf.yield %scan3A_43 : i32
      }
      %scan3A_30 = arith.constant 16 : i32
      "tpu.region"() ({
        %run_scoped3A = tpu.sem_alloc : memref<!tpu.dma_semaphore, #tpu.memory_space<semaphore_mem>>
        %dma_start3A = tpu.memref_slice %arg3[%add3A_16] : memref<4194304xi32, #tpu.memory_space<hbm>> -> memref<32768xi32, #tpu.memory_space<hbm>>
        %dma_start3A_32 = tpu.memref_slice %arg3[%add3A_16] : memref<4194304xi32, #tpu.memory_space<hbm>> -> memref<32768xi32, #tpu.memory_space<hbm>>
        tpu.enqueue_dma source(%arg5 : memref<32768xi32, #tpu.memory_space<vmem>>) target(%dma_start3A_32 : memref<32768xi32, #tpu.memory_space<hbm>>) target_semaphore(%run_scoped3A : memref<!tpu.dma_semaphore, #tpu.memory_space<semaphore_mem>>)
        %dma_wait3A = tpu.memref_slice %arg3[%add3A_16] : memref<4194304xi32, #tpu.memory_space<hbm>> -> memref<32768xi32, #tpu.memory_space<hbm>>
        %dma_wait3A_33 = tpu.memref_slice %arg3[%add3A_16] : memref<4194304xi32, #tpu.memory_space<hbm>> -> memref<32768xi32, #tpu.memory_space<hbm>>
        tpu.wait_dma2 semaphore(%run_scoped3A : memref<!tpu.dma_semaphore, #tpu.memory_space<semaphore_mem>>) src(%arg5 : memref<32768xi32, #tpu.memory_space<vmem>>) dst(%dma_wait3A_33 : memref<32768xi32, #tpu.memory_space<hbm>>)
        tpu.yield
      }) : () -> ()
      %scan3A_31 = arith.constant 0 : i32
      scf.yield %scan3A_31 : i32
    }
    %scan3A_9 = arith.constant 4 : i32
    return
  }
}

#map = affine_map<(d0, d1) -> (0)>
module attributes {stable_mosaic.version = 14 : i64} {
  func.func @_k1_body(%arg0: i32, %arg1: i32, %arg2: memref<4194304xf32, #tpu.memory_space<hbm>>, %arg3: memref<4194304xi32, #tpu.memory_space<hbm>>, %arg4: memref<65536xf32, #tpu.memory_space<hbm>>, %arg5: memref<65536xf32, #tpu.memory_space<hbm>>, %arg6: memref<65536xf32, #tpu.memory_space<hbm>>, %arg7: memref<65536xi32, #tpu.memory_space<hbm>>, %arg8: memref<65536xi32, #tpu.memory_space<hbm>>, %arg9: memref<16xi32, #tpu.memory_space<vmem>>, %arg10: memref<2048xi32, #tpu.memory_space<vmem>>, %arg11: memref<2048xi32, #tpu.memory_space<vmem>>, %arg12: memref<2048xi32, #tpu.memory_space<vmem>>, %arg13: memref<2048xi32, #tpu.memory_space<vmem>>, %arg14: memref<8192xf32, #tpu.memory_space<vmem>>, %arg15: memref<2048xi32, #tpu.memory_space<vmem>>, %arg16: memref<2048xi32, #tpu.memory_space<vmem>>, %arg17: memref<2048xf32, #tpu.memory_space<vmem>>, %arg18: memref<2048xf32, #tpu.memory_space<vmem>>, %arg19: memref<2048xf32, #tpu.memory_space<vmem>>, %arg20: memref<!tpu.dma_semaphore, #tpu.memory_space<semaphore_mem>>) attributes {dimension_semantics = [#tpu.dimension_semantics<core_parallel>, #tpu.dimension_semantics<subcore_parallel>], iteration_bounds = array<i64: 2, 16>, scalar_prefetch = 0 : i64, scratch_operands = 12 : i64, tpu.core_type = #tpu.core_type<sc_vector_subcore>, window_params = [{transform_indices = #map}, {transform_indices = #map}, {transform_indices = #map}, {transform_indices = #map}, {transform_indices = #map}, {transform_indices = #map}, {transform_indices = #map}]} {
    %mul3A = arith.constant 2 : i32
    %mul3A_0 = arith.muli %arg1, %mul3A : i32
    %add3A = arith.addi %mul3A_0, %arg0 : i32
    %mul3A_1 = arith.constant 2048 : i32
    %mul3A_2 = arith.muli %add3A, %mul3A_1 : i32
    %iota3A = tpu.iota {dimensions = array<i32: 0>} : vector<16xi32>
    %lt3A = arith.constant 1 : i32
    %lt3A_3 = vector.broadcast %lt3A : i32 to vector<16xi32>
    %lt3A_4 = arith.cmpi slt, %iota3A, %lt3A_3 : vector<16xi32>
    %add3A_5 = arith.constant 2048 : i32
    %add3A_6 = arith.addi %mul3A_2, %add3A_5 : i32
    %broadcast_in_dim3A = vector.broadcast %mul3A_2 : i32 to vector<16xi32>
    %broadcast_in_dim3A_7 = vector.broadcast %add3A_6 : i32 to vector<16xi32>
    %select_n3A = arith.select %lt3A_4, %broadcast_in_dim3A, %broadcast_in_dim3A_7 : vector<16xi1>, vector<16xi32>
    %broadcast_in_dim3A_8 = arith.constant 0 : i32
    %broadcast_in_dim3A_9 = vector.broadcast %broadcast_in_dim3A_8 : i32 to vector<16xi32>
    %broadcast_in_dim3A_10 = arith.constant 4194304 : i32
    %broadcast_in_dim3A_11 = vector.broadcast %broadcast_in_dim3A_10 : i32 to vector<16xi32>
    %scan3A = arith.constant 0 : i32
    %scan3A_12 = arith.constant 23 : i32
    %scan3A_13 = arith.addi %scan3A, %scan3A_12 : i32
    %scan3A_14 = arith.constant 1 : i32
    %scan3A_15:2 = scf.for %scan3A_85 = %scan3A to %scan3A_13 step %scan3A_14 iter_args(%scan3A_86 = %broadcast_in_dim3A_9, %scan3A_87 = %broadcast_in_dim3A_11) -> (vector<16xi32>, vector<16xi32>)  : i32 {
      %lt3A_88 = arith.cmpi slt, %scan3A_86, %scan3A_87 : vector<16xi32>
      %add3A_89 = arith.addi %scan3A_86, %scan3A_87 : vector<16xi32>
      %shift_right_arithmetic3A_90 = arith.constant 1 : i32
      %shift_right_arithmetic3A_91 = vector.broadcast %shift_right_arithmetic3A_90 : i32 to vector<16xi32>
      %shift_right_arithmetic3A_92 = arith.shrsi %add3A_89, %shift_right_arithmetic3A_91 : vector<16xi32>
      %min3A_93 = arith.constant 4194303 : i32
      %min3A_94 = vector.broadcast %min3A_93 : i32 to vector<16xi32>
      %min3A_95 = arith.minsi %shift_right_arithmetic3A_92, %min3A_94 : vector<16xi32>
      %dma_start3A_96 = arith.constant 0 : i32
      %dma_start3A_97 = tpu.memref_slice %arg3[%dma_start3A_96] : memref<4194304xi32, #tpu.memory_space<hbm>> -> memref<4194304xi32, #tpu.memory_space<hbm>>
      tpu.enqueue_indirect_dma source(%dma_start3A_97 : memref<4194304xi32, #tpu.memory_space<hbm>>) target(%arg9 : memref<16xi32, #tpu.memory_space<vmem>>) offsets(%min3A_95 : vector<16xi32>) semaphore(%arg20 : memref<!tpu.dma_semaphore, #tpu.memory_space<semaphore_mem>>)
      %dma_wait3A_98 = arith.constant 0 : i32
      %dma_wait3A_99 = tpu.memref_slice %arg3[%dma_wait3A_98] : memref<4194304xi32, #tpu.memory_space<hbm>> -> memref<4194304xi32, #tpu.memory_space<hbm>>
      tpu.wait_indirect_dma semaphore(%arg20 : memref<!tpu.dma_semaphore, #tpu.memory_space<semaphore_mem>>) src(%dma_wait3A_99 : memref<4194304xi32, #tpu.memory_space<hbm>>) dst(%arg9 : memref<16xi32, #tpu.memory_space<vmem>>)
      %get3A = arith.constant 0 : index
      %get3A_100 = tpu.vector_load %arg9[%get3A] {strides = array<i32>} : memref<16xi32, #tpu.memory_space<vmem>>, vector<16xi32>,
      %lt3A_101 = arith.cmpi slt, %get3A_100, %select_n3A : vector<16xi32>
      %and3A = arith.andi %lt3A_88, %lt3A_101 : vector<16xi1>
      %add3A_102 = arith.constant 1 : i32
      %add3A_103 = vector.broadcast %add3A_102 : i32 to vector<16xi32>
      %add3A_104 = arith.addi %min3A_95, %add3A_103 : vector<16xi32>
      %select_n3A_105 = arith.select %and3A, %add3A_104, %scan3A_86 : vector<16xi1>, vector<16xi32>
      %not3A = arith.constant dense<true> : vector<16xi1>
      %not3A_106 = arith.xori %and3A, %not3A : vector<16xi1>
      %and3A_107 = arith.andi %lt3A_88, %not3A_106 : vector<16xi1>
      %select_n3A_108 = arith.select %and3A_107, %min3A_95, %scan3A_87 : vector<16xi1>, vector<16xi32>
      scf.yield %select_n3A_105, %select_n3A_108 : vector<16xi32>, vector<16xi32>
    }
    %scan3A_16 = arith.constant 23 : i32
    %broadcast_in_dim3A_17 = arith.constant -1 : i32
    %broadcast_in_dim3A_18 = vector.broadcast %broadcast_in_dim3A_17 : i32 to vector<16xi32>
    %eq3A = arith.constant 0 : i32
    %eq3A_19 = vector.broadcast %eq3A : i32 to vector<16xi32>
    %eq3A_20 = arith.cmpi eq, %iota3A, %eq3A_19 : vector<16xi32>
    %select_n3A_21 = arith.select %eq3A_20, %scan3A_15#0, %broadcast_in_dim3A_18 : vector<16xi1>, vector<16xi32>
    %reduce_max3A = arith.constant true
    %reduce_max3A_22 = vector.broadcast %reduce_max3A : i1 to vector<16xi1>
    %reduce_max3A_23 = arith.constant -2147483648 : i32
    %reduce_max3A_24 = vector.broadcast %reduce_max3A_23 : i32 to vector<16xi32>
    %reduce_max3A_25 = arith.xori %select_n3A_21, %reduce_max3A_24 : vector<16xi32>
    %reduce_max3A_26 = tpu.scan <max>, %reduce_max3A_25 masked %reduce_max3A_22 : vector<16xi32>, vector<16xi1> -> vector<16xi32>
    %reduce_max3A_27 = arith.xori %reduce_max3A_26, %reduce_max3A_24 : vector<16xi32>
    %reduce_max3A_28 = vector.extract %reduce_max3A_27[15] : i32 from vector<16xi32>
    %eq3A_29 = arith.constant 1 : i32
    %eq3A_30 = vector.broadcast %eq3A_29 : i32 to vector<16xi32>
    %eq3A_31 = arith.cmpi eq, %iota3A, %eq3A_30 : vector<16xi32>
    %select_n3A_32 = arith.select %eq3A_31, %scan3A_15#0, %broadcast_in_dim3A_18 : vector<16xi1>, vector<16xi32>
    %reduce_max3A_33 = arith.constant true
    %reduce_max3A_34 = vector.broadcast %reduce_max3A_33 : i1 to vector<16xi1>
    %reduce_max3A_35 = arith.constant -2147483648 : i32
    %reduce_max3A_36 = vector.broadcast %reduce_max3A_35 : i32 to vector<16xi32>
    %reduce_max3A_37 = arith.xori %select_n3A_32, %reduce_max3A_36 : vector<16xi32>
    %reduce_max3A_38 = tpu.scan <max>, %reduce_max3A_37 masked %reduce_max3A_34 : vector<16xi32>, vector<16xi1> -> vector<16xi32>
    %reduce_max3A_39 = arith.xori %reduce_max3A_38, %reduce_max3A_36 : vector<16xi32>
    %reduce_max3A_40 = vector.extract %reduce_max3A_39[15] : i32 from vector<16xi32>
    %broadcast_in_dim3A_41 = arith.constant 0 : i32
    %broadcast_in_dim3A_42 = vector.broadcast %broadcast_in_dim3A_41 : i32 to vector<16xi32>
    %scan3A_43 = arith.constant 0 : i32
    %scan3A_44 = arith.constant 0 : i32
    %scan3A_45 = arith.constant 128 : i32
    %scan3A_46 = arith.addi %scan3A_44, %scan3A_45 : i32
    %scan3A_47 = arith.constant 1 : i32
    %scan3A_48 = scf.for %scan3A_85 = %scan3A_44 to %scan3A_46 step %scan3A_47 iter_args(%scan3A_86 = %scan3A_43) -> (i32)  : i32 {
      %mul3A_87 = arith.constant 16 : i32
      %mul3A_88 = arith.muli %scan3A_85, %mul3A_87 : i32
      %swap3A = arith.index_cast %mul3A_88 : i32 to index
      %swap3A_89 = tpu.vector_load %arg11[%swap3A] {strides = array<i32>} : memref<2048xi32, #tpu.memory_space<vmem>>, vector<16xi32>,
      tpu.vector_store %arg11[%swap3A], %broadcast_in_dim3A_42 {strides = array<i32>} : memref<2048xi32, #tpu.memory_space<vmem>>, vector<16xi32>,
      %scan3A_90 = arith.constant 0 : i32
      scf.yield %scan3A_90 : i32
    }
    %scan3A_49 = arith.constant 128 : i32
    %add3A_50 = arith.constant 1 : i32
    %add3A_51 = vector.broadcast %add3A_50 : i32 to vector<16xi32>
    %add3A_52 = arith.addi %iota3A, %add3A_51 : vector<16xi32>
    %min3A = arith.constant 15 : i32
    %min3A_53 = vector.broadcast %min3A : i32 to vector<16xi32>
    %min3A_54 = arith.minsi %add3A_52, %min3A_53 : vector<16xi32>
    %broadcast_in_dim3A_55 = vector.broadcast %mul3A_2 : i32 to vector<16xi32>
    %shift_right_arithmetic3A = arith.constant 3 : i32
    %shift_right_arithmetic3A_56 = arith.shrsi %reduce_max3A_28, %shift_right_arithmetic3A : i32
    %shift_left3A = arith.constant 3 : i32
    %shift_left3A_57 = arith.shli %shift_right_arithmetic3A_56, %shift_left3A : i32
    %multiple_of3A = tpu.assume_multiple %shift_left3A_57, 8 : i32
    %while3A = scf.while (%while3A_85 = %multiple_of3A) : (i32) -> i32 {
      %lt3A_86 = arith.cmpi slt, %while3A_85, %reduce_max3A_40 : i32
      scf.condition(%lt3A_86) %while3A_85 : i32
    } do {
    ^bb0(%while3A_85: i32):
      %min3A_86 = arith.constant 4192256 : i32
      %min3A_87 = arith.minsi %while3A_85, %min3A_86 : i32
      %multiple_of3A_88 = tpu.assume_multiple %min3A_87, 8 : i32
      "tpu.region"() ({
        %run_scoped3A = tpu.sem_alloc : memref<!tpu.dma_semaphore, #tpu.memory_space<semaphore_mem>>
        %dma_start3A_98 = tpu.memref_slice %arg3[%multiple_of3A_88] : memref<4194304xi32, #tpu.memory_space<hbm>> -> memref<2048xi32, #tpu.memory_space<hbm>>
        %dma_start3A_99 = tpu.memref_slice %arg3[%multiple_of3A_88] : memref<4194304xi32, #tpu.memory_space<hbm>> -> memref<2048xi32, #tpu.memory_space<hbm>>
        tpu.enqueue_dma source(%dma_start3A_99 : memref<2048xi32, #tpu.memory_space<hbm>>) target(%arg10 : memref<2048xi32, #tpu.memory_space<vmem>>) target_semaphore(%run_scoped3A : memref<!tpu.dma_semaphore, #tpu.memory_space<semaphore_mem>>)
        %dma_wait3A_100 = tpu.memref_slice %arg3[%multiple_of3A_88] : memref<4194304xi32, #tpu.memory_space<hbm>> -> memref<2048xi32, #tpu.memory_space<hbm>>
        %dma_wait3A_101 = tpu.memref_slice %arg3[%multiple_of3A_88] : memref<4194304xi32, #tpu.memory_space<hbm>> -> memref<2048xi32, #tpu.memory_space<hbm>>
        tpu.wait_dma2 semaphore(%run_scoped3A : memref<!tpu.dma_semaphore, #tpu.memory_space<semaphore_mem>>) src(%dma_wait3A_101 : memref<2048xi32, #tpu.memory_space<hbm>>) dst(%arg10 : memref<2048xi32, #tpu.memory_space<vmem>>)
        tpu.yield
      }) : () -> ()
      %scan3A_89 = arith.constant 0 : i32
      %scan3A_90 = arith.constant 0 : i32
      %scan3A_91 = arith.constant 128 : i32
      %scan3A_92 = arith.addi %scan3A_90, %scan3A_91 : i32
      %scan3A_93 = arith.constant 1 : i32
      %scan3A_94 = scf.for %scan3A_98 = %scan3A_90 to %scan3A_92 step %scan3A_93 iter_args(%scan3A_99 = %scan3A_89) -> (i32)  : i32 {
        %mul3A_100 = arith.constant 16 : i32
        %mul3A_101 = arith.muli %scan3A_98, %mul3A_100 : i32
        %get3A = arith.index_cast %mul3A_101 : i32 to index
        %get3A_102 = tpu.vector_load %arg10[%get3A] {strides = array<i32>} : memref<2048xi32, #tpu.memory_space<vmem>>, vector<16xi32>,
        %broadcast_in_dim3A_103 = vector.shape_cast %min3A_54 : vector<16xi32> to vector<16x1xi32>
        %gather3A = vector.shape_cast %broadcast_in_dim3A_103 : vector<16x1xi32> to vector<16xi32>
        %gather3A_104 = tpu.dynamic_gather %get3A_102[%gather3A] in [0] : vector<16xi32>, vector<16xi32> -> vector<16xi32>
        %ne3A = arith.cmpi ne, %gather3A_104, %get3A_102 : vector<16xi32>
        %eq3A_105 = arith.constant 15 : i32
        %eq3A_106 = vector.broadcast %eq3A_105 : i32 to vector<16xi32>
        %eq3A_107 = arith.cmpi eq, %iota3A, %eq3A_106 : vector<16xi32>
        %or3A = arith.ori %ne3A, %eq3A_107 : vector<16xi1>
        %add3A_108 = arith.addi %multiple_of3A_88, %mul3A_101 : i32
        %add3A_109 = vector.broadcast %add3A_108 : i32 to vector<16xi32>
        %add3A_110 = arith.addi %add3A_109, %iota3A : vector<16xi32>
        %sub3A = arith.subi %get3A_102, %broadcast_in_dim3A_55 : vector<16xi32>
        %ge3A = arith.constant 0 : i32
        %ge3A_111 = vector.broadcast %ge3A : i32 to vector<16xi32>
        %ge3A_112 = arith.cmpi sge, %sub3A, %ge3A_111 : vector<16xi32>
        %lt3A_113 = arith.constant 2048 : i32
        %lt3A_114 = vector.broadcast %lt3A_113 : i32 to vector<16xi32>
        %lt3A_115 = arith.cmpi slt, %sub3A, %lt3A_114 : vector<16xi32>
        %and3A = arith.andi %ge3A_112, %lt3A_115 : vector<16xi1>
        %ge3A_116 = vector.broadcast %while3A_85 : i32 to vector<16xi32>
        %ge3A_117 = arith.cmpi sge, %add3A_110, %ge3A_116 : vector<16xi32>
        %and3A_118 = arith.andi %and3A, %ge3A_117 : vector<16xi1>
        %jit3A = arith.constant 0 : i32
        %jit3A_119 = arith.constant 2047 : i32
        %max3A = vector.broadcast %jit3A : i32 to vector<16xi32>
        %max3A_120 = arith.maxsi %max3A, %sub3A : vector<16xi32>
        %min3A_121 = vector.broadcast %jit3A_119 : i32 to vector<16xi32>
        %min3A_122 = arith.minsi %min3A_121, %max3A_120 : vector<16xi32>
        %add3A_123 = arith.constant 1 : i32
        %add3A_124 = vector.broadcast %add3A_123 : i32 to vector<16xi32>
        %add3A_125 = arith.addi %add3A_110, %add3A_124 : vector<16xi32>
        %and3A_126 = arith.andi %or3A, %and3A_118 : vector<16xi1>
        tpu.vector_store_idx %arg11[%min3A_122], %add3A_125 masked %and3A_126 : memref<2048xi32, #tpu.memory_space<vmem>>[vector<16xi32>], vector<16xi32>, vector<16xi1>
        %scan3A_127 = arith.constant 0 : i32
        scf.yield %scan3A_127 : i32
      }
      %scan3A_95 = arith.constant 128 : i32
      %add3A_96 = arith.constant 2048 : i32
      %add3A_97 = arith.addi %while3A_85, %add3A_96 : i32
      scf.yield %add3A_97 : i32
    }
    %scan3A_58 = arith.constant 0 : i32
    %scan3A_59 = arith.constant 128 : i32
    %scan3A_60 = arith.addi %scan3A_58, %scan3A_59 : i32
    %scan3A_61 = arith.constant 1 : i32
    %scan3A_62 = scf.for %scan3A_85 = %scan3A_58 to %scan3A_60 step %scan3A_61 iter_args(%scan3A_86 = %reduce_max3A_28) -> (i32)  : i32 {
      %mul3A_87 = arith.constant 16 : i32
      %mul3A_88 = arith.muli %scan3A_85, %mul3A_87 : i32
      %get3A = arith.index_cast %mul3A_88 : i32 to index
      %get3A_89 = tpu.vector_load %arg11[%get3A] {strides = array<i32>} : memref<2048xi32, #tpu.memory_space<vmem>>, vector<16xi32>,
      %broadcast_in_dim3A_90 = arith.constant true
      %broadcast_in_dim3A_91 = vector.broadcast %broadcast_in_dim3A_90 : i1 to vector<16xi1>
      %masked_cummax3A = arith.constant -2147483648 : i32
      %masked_cummax3A_92 = vector.broadcast %masked_cummax3A : i32 to vector<16xi32>
      %masked_cummax3A_93 = arith.xori %get3A_89, %masked_cummax3A_92 : vector<16xi32>
      %masked_cummax3A_94 = tpu.scan <max>, %masked_cummax3A_93 masked %broadcast_in_dim3A_91 : vector<16xi32>, vector<16xi1> -> vector<16xi32>
      %masked_cummax3A_95 = arith.xori %masked_cummax3A_94, %masked_cummax3A_92 : vector<16xi32>
      %broadcast_in_dim3A_96 = vector.broadcast %scan3A_86 : i32 to vector<16xi32>
      %max3A = arith.maxsi %masked_cummax3A_95, %broadcast_in_dim3A_96 : vector<16xi32>
      %sub3A = arith.constant 1 : i32
      %sub3A_97 = vector.broadcast %sub3A : i32 to vector<16xi32>
      %sub3A_98 = arith.subi %iota3A, %sub3A_97 : vector<16xi32>
      %max3A_99 = arith.constant 0 : i32
      %max3A_100 = vector.broadcast %max3A_99 : i32 to vector<16xi32>
      %max3A_101 = arith.maxsi %sub3A_98, %max3A_100 : vector<16xi32>
      %broadcast_in_dim3A_102 = vector.shape_cast %max3A_101 : vector<16xi32> to vector<16x1xi32>
      %gather3A = vector.shape_cast %broadcast_in_dim3A_102 : vector<16x1xi32> to vector<16xi32>
      %gather3A_103 = tpu.dynamic_gather %max3A[%gather3A] in [0] : vector<16xi32>, vector<16xi32> -> vector<16xi32>
      %eq3A_104 = arith.constant 0 : i32
      %eq3A_105 = vector.broadcast %eq3A_104 : i32 to vector<16xi32>
      %eq3A_106 = arith.cmpi eq, %iota3A, %eq3A_105 : vector<16xi32>
      %broadcast_in_dim3A_107 = vector.broadcast %scan3A_86 : i32 to vector<16xi32>
      %select_n3A_108 = arith.select %eq3A_106, %broadcast_in_dim3A_107, %gather3A_103 : vector<16xi1>, vector<16xi32>
      %swap3A = arith.index_cast %mul3A_88 : i32 to index
      %swap3A_109 = tpu.vector_load %arg12[%swap3A] {strides = array<i32>} : memref<2048xi32, #tpu.memory_space<vmem>>, vector<16xi32>,
      tpu.vector_store %arg12[%swap3A], %select_n3A_108 {strides = array<i32>} : memref<2048xi32, #tpu.memory_space<vmem>>, vector<16xi32>,
      %sub3A_110 = arith.subi %max3A, %select_n3A_108 : vector<16xi32>
      %swap3A_111 = arith.index_cast %mul3A_88 : i32 to index
      %swap3A_112 = tpu.vector_load %arg13[%swap3A_111] {strides = array<i32>} : memref<2048xi32, #tpu.memory_space<vmem>>, vector<16xi32>,
      tpu.vector_store %arg13[%swap3A_111], %sub3A_110 {strides = array<i32>} : memref<2048xi32, #tpu.memory_space<vmem>>, vector<16xi32>,
      %reduce_max3A_113 = arith.constant true
      %reduce_max3A_114 = vector.broadcast %reduce_max3A_113 : i1 to vector<16xi1>
      %reduce_max3A_115 = arith.constant -2147483648 : i32
      %reduce_max3A_116 = vector.broadcast %reduce_max3A_115 : i32 to vector<16xi32>
      %reduce_max3A_117 = arith.xori %max3A, %reduce_max3A_116 : vector<16xi32>
      %reduce_max3A_118 = tpu.scan <max>, %reduce_max3A_117 masked %reduce_max3A_114 : vector<16xi32>, vector<16xi1> -> vector<16xi32>
      %reduce_max3A_119 = arith.xori %reduce_max3A_118, %reduce_max3A_116 : vector<16xi32>
      %reduce_max3A_120 = vector.extract %reduce_max3A_119[15] : i32 from vector<16xi32>
      scf.yield %reduce_max3A_120 : i32
    }
    %scan3A_63 = arith.constant 128 : i32
    %mul3A_64 = arith.constant 2048 : i32
    %mul3A_65 = arith.muli %add3A, %mul3A_64 : i32
    "tpu.region"() ({
      %run_scoped3A = tpu.sem_alloc : memref<!tpu.dma_semaphore, #tpu.memory_space<semaphore_mem>>
      %dma_start3A_85 = tpu.memref_slice %arg4[%mul3A_65] : memref<65536xf32, #tpu.memory_space<hbm>> -> memref<2048xf32, #tpu.memory_space<hbm>>
      %dma_start3A_86 = tpu.memref_slice %arg4[%mul3A_65] : memref<65536xf32, #tpu.memory_space<hbm>> -> memref<2048xf32, #tpu.memory_space<hbm>>
      tpu.enqueue_dma source(%dma_start3A_86 : memref<2048xf32, #tpu.memory_space<hbm>>) target(%arg18 : memref<2048xf32, #tpu.memory_space<vmem>>) target_semaphore(%run_scoped3A : memref<!tpu.dma_semaphore, #tpu.memory_space<semaphore_mem>>)
      %dma_wait3A_87 = tpu.memref_slice %arg4[%mul3A_65] : memref<65536xf32, #tpu.memory_space<hbm>> -> memref<2048xf32, #tpu.memory_space<hbm>>
      %dma_wait3A_88 = tpu.memref_slice %arg4[%mul3A_65] : memref<65536xf32, #tpu.memory_space<hbm>> -> memref<2048xf32, #tpu.memory_space<hbm>>
      tpu.wait_dma2 semaphore(%run_scoped3A : memref<!tpu.dma_semaphore, #tpu.memory_space<semaphore_mem>>) src(%dma_wait3A_88 : memref<2048xf32, #tpu.memory_space<hbm>>) dst(%arg18 : memref<2048xf32, #tpu.memory_space<vmem>>)
      tpu.yield
    }) : () -> ()
    %mul3A_66 = arith.constant 2048 : i32
    %mul3A_67 = arith.muli %add3A, %mul3A_66 : i32
    "tpu.region"() ({
      %run_scoped3A = tpu.sem_alloc : memref<!tpu.dma_semaphore, #tpu.memory_space<semaphore_mem>>
      %dma_start3A_85 = tpu.memref_slice %arg5[%mul3A_67] : memref<65536xf32, #tpu.memory_space<hbm>> -> memref<2048xf32, #tpu.memory_space<hbm>>
      %dma_start3A_86 = tpu.memref_slice %arg5[%mul3A_67] : memref<65536xf32, #tpu.memory_space<hbm>> -> memref<2048xf32, #tpu.memory_space<hbm>>
      tpu.enqueue_dma source(%dma_start3A_86 : memref<2048xf32, #tpu.memory_space<hbm>>) target(%arg19 : memref<2048xf32, #tpu.memory_space<vmem>>) target_semaphore(%run_scoped3A : memref<!tpu.dma_semaphore, #tpu.memory_space<semaphore_mem>>)
      %dma_wait3A_87 = tpu.memref_slice %arg5[%mul3A_67] : memref<65536xf32, #tpu.memory_space<hbm>> -> memref<2048xf32, #tpu.memory_space<hbm>>
      %dma_wait3A_88 = tpu.memref_slice %arg5[%mul3A_67] : memref<65536xf32, #tpu.memory_space<hbm>> -> memref<2048xf32, #tpu.memory_space<hbm>>
      tpu.wait_dma2 semaphore(%run_scoped3A : memref<!tpu.dma_semaphore, #tpu.memory_space<semaphore_mem>>) src(%dma_wait3A_88 : memref<2048xf32, #tpu.memory_space<hbm>>) dst(%arg19 : memref<2048xf32, #tpu.memory_space<vmem>>)
      tpu.yield
    }) : () -> ()
    %broadcast_in_dim3A_68 = arith.constant 0xFF800000 : f32
    %broadcast_in_dim3A_69 = vector.broadcast %broadcast_in_dim3A_68 : f32 to vector<16xf32>
    %scan3A_70 = arith.constant 0 : i32
    %scan3A_71 = arith.constant 0 : i32
    %scan3A_72 = arith.constant 128 : i32
    %scan3A_73 = arith.addi %scan3A_71, %scan3A_72 : i32
    %scan3A_74 = arith.constant 1 : i32
    %scan3A_75 = scf.for %scan3A_85 = %scan3A_71 to %scan3A_73 step %scan3A_74 iter_args(%scan3A_86 = %scan3A_70) -> (i32)  : i32 {
      %mul3A_87 = arith.constant 16 : i32
      %mul3A_88 = arith.muli %scan3A_85, %mul3A_87 : i32
      %get3A = arith.index_cast %mul3A_88 : i32 to index
      %get3A_89 = tpu.vector_load %arg12[%get3A] {strides = array<i32>} : memref<2048xi32, #tpu.memory_space<vmem>>, vector<16xi32>,
      %get3A_90 = arith.index_cast %mul3A_88 : i32 to index
      %get3A_91 = tpu.vector_load %arg13[%get3A_90] {strides = array<i32>} : memref<2048xi32, #tpu.memory_space<vmem>>, vector<16xi32>,
      %reduce_min3A = arith.constant true
      %reduce_min3A_92 = vector.broadcast %reduce_min3A : i1 to vector<16xi1>
      %reduce_min3A_93 = arith.constant -2147483648 : i32
      %reduce_min3A_94 = vector.broadcast %reduce_min3A_93 : i32 to vector<16xi32>
      %reduce_min3A_95 = arith.xori %get3A_89, %reduce_min3A_94 : vector<16xi32>
      %reduce_min3A_96 = tpu.scan <min>, %reduce_min3A_95 masked %reduce_min3A_92 : vector<16xi32>, vector<16xi1> -> vector<16xi32>
      %reduce_min3A_97 = arith.xori %reduce_min3A_96, %reduce_min3A_94 : vector<16xi32>
      %reduce_min3A_98 = vector.extract %reduce_min3A_97[15] : i32 from vector<16xi32>
      %shift_right_arithmetic3A_99 = arith.constant 3 : i32
      %shift_right_arithmetic3A_100 = arith.shrsi %reduce_min3A_98, %shift_right_arithmetic3A_99 : i32
      %shift_left3A_101 = arith.constant 3 : i32
      %shift_left3A_102 = arith.shli %shift_right_arithmetic3A_100, %shift_left3A_101 : i32
      %multiple_of3A_103 = tpu.assume_multiple %shift_left3A_102, 8 : i32
      %broadcast_in_dim3A_104 = arith.constant 0 : i32
      %broadcast_in_dim3A_105 = vector.broadcast %broadcast_in_dim3A_104 : i32 to vector<16xi32>
      %sub3A = arith.constant 4194303 : i32
      %sub3A_106 = vector.broadcast %sub3A : i32 to vector<16xi32>
      %sub3A_107 = arith.subi %sub3A_106, %get3A_89 : vector<16xi32>
      %while3A_108:4 = scf.while (%while3A_136 = %broadcast_in_dim3A_105, %while3A_137 = %broadcast_in_dim3A_69, %while3A_138 = %sub3A_107, %while3A_139 = %multiple_of3A_103) : (vector<16xi32>, vector<16xf32>, vector<16xi32>, i32) -> (vector<16xi32>, vector<16xf32>, vector<16xi32>, i32) {
        %lt3A_140 = arith.cmpi slt, %while3A_136, %get3A_91 : vector<16xi32>
        %reduce_or3A = arith.constant 1.000000e+00 : f32
        %reduce_or3A_141 = arith.constant 0.000000e+00 : f32
        %reduce_or3A_142 = vector.broadcast %reduce_or3A : f32 to vector<16xf32>
        %reduce_or3A_143 = vector.broadcast %reduce_or3A_141 : f32 to vector<16xf32>
        %reduce_or3A_144 = arith.select %lt3A_140, %reduce_or3A_142, %reduce_or3A_143 : vector<16xi1>, vector<16xf32>
        %reduce_or3A_145 = arith.constant true
        %reduce_or3A_146 = vector.broadcast %reduce_or3A_145 : i1 to vector<16xi1>
        %reduce_or3A_147 = tpu.scan <max>, %reduce_or3A_144 masked %reduce_or3A_146 : vector<16xf32>, vector<16xi1> -> vector<16xf32>
        %reduce_or3A_148 = vector.extract %reduce_or3A_147[15] : f32 from vector<16xf32>
        %reduce_or3A_149 = arith.constant 0.000000e+00 : f32
        %reduce_or3A_150 = arith.cmpf ogt, %reduce_or3A_148, %reduce_or3A_149 : f32
        scf.condition(%reduce_or3A_150) %while3A_136, %while3A_137, %while3A_138, %while3A_139 : vector<16xi32>, vector<16xf32>, vector<16xi32>, i32
      } do {
      ^bb0(%while3A_136: vector<16xi32>, %while3A_137: vector<16xf32>, %while3A_138: vector<16xi32>, %while3A_139: i32):
        %min3A_140 = arith.constant 4186112 : i32
        %min3A_141 = arith.minsi %while3A_139, %min3A_140 : i32
        %multiple_of3A_142 = tpu.assume_multiple %min3A_141, 8 : i32
        "tpu.region"() ({
          %run_scoped3A = tpu.sem_alloc : memref<!tpu.dma_semaphore, #tpu.memory_space<semaphore_mem>>
          %dma_start3A_173 = tpu.memref_slice %arg2[%multiple_of3A_142] : memref<4194304xf32, #tpu.memory_space<hbm>> -> memref<8192xf32, #tpu.memory_space<hbm>>
          %dma_start3A_174 = tpu.memref_slice %arg2[%multiple_of3A_142] : memref<4194304xf32, #tpu.memory_space<hbm>> -> memref<8192xf32, #tpu.memory_space<hbm>>
          tpu.enqueue_dma source(%dma_start3A_174 : memref<8192xf32, #tpu.memory_space<hbm>>) target(%arg14 : memref<8192xf32, #tpu.memory_space<vmem>>) target_semaphore(%run_scoped3A : memref<!tpu.dma_semaphore, #tpu.memory_space<semaphore_mem>>)
          %dma_wait3A_175 = tpu.memref_slice %arg2[%multiple_of3A_142] : memref<4194304xf32, #tpu.memory_space<hbm>> -> memref<8192xf32, #tpu.memory_space<hbm>>
          %dma_wait3A_176 = tpu.memref_slice %arg2[%multiple_of3A_142] : memref<4194304xf32, #tpu.memory_space<hbm>> -> memref<8192xf32, #tpu.memory_space<hbm>>
          tpu.wait_dma2 semaphore(%run_scoped3A : memref<!tpu.dma_semaphore, #tpu.memory_space<semaphore_mem>>) src(%dma_wait3A_176 : memref<8192xf32, #tpu.memory_space<hbm>>) dst(%arg14 : memref<8192xf32, #tpu.memory_space<vmem>>)
          tpu.yield
        }) : () -> ()
        %add3A_143 = arith.constant 8192 : i32
        %add3A_144 = arith.addi %multiple_of3A_142, %add3A_143 : i32
        %sub3A_145 = vector.broadcast %add3A_144 : i32 to vector<16xi32>
        %sub3A_146 = arith.subi %sub3A_145, %get3A_89 : vector<16xi32>
        %jit3A_147 = arith.constant 0 : i32
        %max3A_148 = vector.broadcast %jit3A_147 : i32 to vector<16xi32>
        %max3A_149 = arith.maxsi %max3A_148, %sub3A_146 : vector<16xi32>
        %min3A_150 = arith.minsi %get3A_91, %max3A_149 : vector<16xi32>
        %sub3A_151 = arith.subi %min3A_150, %while3A_136 : vector<16xi32>
        %reduce_max3A_152 = arith.constant true
        %reduce_max3A_153 = vector.broadcast %reduce_max3A_152 : i1 to vector<16xi1>
        %reduce_max3A_154 = arith.constant -2147483648 : i32
        %reduce_max3A_155 = vector.broadcast %reduce_max3A_154 : i32 to vector<16xi32>
        %reduce_max3A_156 = arith.xori %sub3A_151, %reduce_max3A_155 : vector<16xi32>
        %reduce_max3A_157 = tpu.scan <max>, %reduce_max3A_156 masked %reduce_max3A_153 : vector<16xi32>, vector<16xi1> -> vector<16xi32>
        %reduce_max3A_158 = arith.xori %reduce_max3A_157, %reduce_max3A_155 : vector<16xi32>
        %reduce_max3A_159 = vector.extract %reduce_max3A_158[15] : i32 from vector<16xi32>
        %while3A_160 = arith.constant 0 : i32
        %while3A_161 = arith.subi %reduce_max3A_159, %while3A_160 : i32
        %while3A_162 = arith.addi %while3A_160, %while3A_161 : i32
        %while3A_163 = arith.constant 1 : i32
        %while3A_164 = arith.divsi %while3A_161, %while3A_163 : i32
        %while3A_165 = arith.muli %while3A_164, %while3A_163 : i32
        %while3A_166 = arith.addi %while3A_160, %while3A_165 : i32
        %while3A_167 = arith.constant 1 : i32
        %while3A_168:2 = scf.for %while3A_173 = %while3A_160 to %while3A_166 step %while3A_167 iter_args(%while3A_174 = %while3A_137, %while3A_175 = %while3A_138) -> (vector<16xf32>, vector<16xi32>)  : i32 {
          %add3A_176 = vector.broadcast %while3A_173 : i32 to vector<16xi32>
          %add3A_177 = arith.addi %while3A_136, %add3A_176 : vector<16xi32>
          %lt3A_178 = arith.cmpi slt, %add3A_177, %min3A_150 : vector<16xi32>
          %add3A_179 = arith.addi %get3A_89, %add3A_177 : vector<16xi32>
          %sub3A_180 = vector.broadcast %multiple_of3A_142 : i32 to vector<16xi32>
          %sub3A_181 = arith.subi %add3A_179, %sub3A_180 : vector<16xi32>
          %jit3A_182 = arith.constant 0 : i32
          %jit3A_183 = arith.constant 8191 : i32
          %max3A_184 = vector.broadcast %jit3A_182 : i32 to vector<16xi32>
          %max3A_185 = arith.maxsi %max3A_184, %sub3A_181 : vector<16xi32>
          %min3A_186 = vector.broadcast %jit3A_183 : i32 to vector<16xi32>
          %min3A_187 = arith.minsi %min3A_186, %max3A_185 : vector<16xi32>
          %gather3A = tpu.vector_load_idx %arg14[%min3A_187] masked %lt3A_178 : memref<8192xf32, #tpu.memory_space<vmem>>[vector<16xi32>], vector<16xf32>, vector<16xi1>
          %gt3A_188 = arith.cmpf ogt, %gather3A, %while3A_174 : vector<16xf32>
          %and3A = arith.andi %lt3A_178, %gt3A_188 : vector<16xi1>
          %select_n3A_189 = arith.select %and3A, %gather3A, %while3A_174 : vector<16xi1>, vector<16xf32>
          %select_n3A_190 = arith.select %and3A, %add3A_177, %while3A_175 : vector<16xi1>, vector<16xi32>
          scf.yield %select_n3A_189, %select_n3A_190 : vector<16xf32>, vector<16xi32>
        }
        %while3A_169 = arith.constant 1 : i32
        %while3A_170:2 = scf.for %while3A_173 = %while3A_166 to %while3A_162 step %while3A_169 iter_args(%while3A_174 = %while3A_168#0, %while3A_175 = %while3A_168#1) -> (vector<16xf32>, vector<16xi32>)  : i32 {
          %add3A_176 = vector.broadcast %while3A_173 : i32 to vector<16xi32>
          %add3A_177 = arith.addi %while3A_136, %add3A_176 : vector<16xi32>
          %lt3A_178 = arith.cmpi slt, %add3A_177, %min3A_150 : vector<16xi32>
          %add3A_179 = arith.addi %get3A_89, %add3A_177 : vector<16xi32>
          %sub3A_180 = vector.broadcast %multiple_of3A_142 : i32 to vector<16xi32>
          %sub3A_181 = arith.subi %add3A_179, %sub3A_180 : vector<16xi32>
          %jit3A_182 = arith.constant 0 : i32
          %jit3A_183 = arith.constant 8191 : i32
          %max3A_184 = vector.broadcast %jit3A_182 : i32 to vector<16xi32>
          %max3A_185 = arith.maxsi %max3A_184, %sub3A_181 : vector<16xi32>
          %min3A_186 = vector.broadcast %jit3A_183 : i32 to vector<16xi32>
          %min3A_187 = arith.minsi %min3A_186, %max3A_185 : vector<16xi32>
          %gather3A = tpu.vector_load_idx %arg14[%min3A_187] masked %lt3A_178 : memref<8192xf32, #tpu.memory_space<vmem>>[vector<16xi32>], vector<16xf32>, vector<16xi1>
          %gt3A_188 = arith.cmpf ogt, %gather3A, %while3A_174 : vector<16xf32>
          %and3A = arith.andi %lt3A_178, %gt3A_188 : vector<16xi1>
          %select_n3A_189 = arith.select %and3A, %gather3A, %while3A_174 : vector<16xi1>, vector<16xf32>
          %select_n3A_190 = arith.select %and3A, %add3A_177, %while3A_175 : vector<16xi1>, vector<16xi32>
          scf.yield %select_n3A_189, %select_n3A_190 : vector<16xf32>, vector<16xi32>
        }
        %add3A_171 = arith.constant 8192 : i32
        %add3A_172 = arith.addi %while3A_139, %add3A_171 : i32
        scf.yield %min3A_150, %while3A_170#0, %while3A_170#1, %add3A_172 : vector<16xi32>, vector<16xf32>, vector<16xi32>, i32
      }
      %get3A_109 = arith.index_cast %mul3A_88 : i32 to index
      %get3A_110 = tpu.vector_load %arg18[%get3A_109] {strides = array<i32>} : memref<2048xf32, #tpu.memory_space<vmem>>, vector<16xf32>,
      %get3A_111 = arith.index_cast %mul3A_88 : i32 to index
      %get3A_112 = tpu.vector_load %arg19[%get3A_111] {strides = array<i32>} : memref<2048xf32, #tpu.memory_space<vmem>>, vector<16xf32>,
      %convert_element_type3A = arith.sitofp %get3A_91 : vector<16xi32> to vector<16xf32>
      %mul3A_113 = arith.mulf %get3A_110, %convert_element_type3A : vector<16xf32>
      %convert_element_type3A_114 = arith.fptosi %mul3A_113 : vector<16xf32> to vector<16xi32>
      %sub3A_115 = arith.constant 1 : i32
      %sub3A_116 = vector.broadcast %sub3A_115 : i32 to vector<16xi32>
      %sub3A_117 = arith.subi %get3A_91, %sub3A_116 : vector<16xi32>
      %max3A = arith.constant 0 : i32
      %max3A_118 = vector.broadcast %max3A : i32 to vector<16xi32>
      %max3A_119 = arith.maxsi %sub3A_117, %max3A_118 : vector<16xi32>
      %min3A_120 = arith.minsi %convert_element_type3A_114, %max3A_119 : vector<16xi32>
      %gt3A = arith.constant 1.000000e-01 : f32
      %gt3A_121 = vector.broadcast %gt3A : f32 to vector<16xf32>
      %gt3A_122 = arith.cmpf ogt, %get3A_112, %gt3A_121 : vector<16xf32>
      %select_n3A_123 = arith.select %gt3A_122, %while3A_108#2, %min3A_120 : vector<16xi1>, vector<16xi32>
      %swap3A = arith.index_cast %mul3A_88 : i32 to index
      %swap3A_124 = tpu.vector_load %arg16[%swap3A] {strides = array<i32>} : memref<2048xi32, #tpu.memory_space<vmem>>, vector<16xi32>,
      tpu.vector_store %arg16[%swap3A], %select_n3A_123 {strides = array<i32>} : memref<2048xi32, #tpu.memory_space<vmem>>, vector<16xi32>,
      %add3A_125 = arith.addi %get3A_89, %while3A_108#2 : vector<16xi32>
      %add3A_126 = arith.addi %get3A_89, %min3A_120 : vector<16xi32>
      %select_n3A_127 = arith.select %gt3A_122, %add3A_125, %add3A_126 : vector<16xi1>, vector<16xi32>
      %jit3A = arith.constant 0 : i32
      %jit3A_128 = arith.constant 4194303 : i32
      %max3A_129 = vector.broadcast %jit3A : i32 to vector<16xi32>
      %max3A_130 = arith.maxsi %max3A_129, %select_n3A_127 : vector<16xi32>
      %min3A_131 = vector.broadcast %jit3A_128 : i32 to vector<16xi32>
      %min3A_132 = arith.minsi %min3A_131, %max3A_130 : vector<16xi32>
      %swap3A_133 = arith.index_cast %mul3A_88 : i32 to index
      %swap3A_134 = tpu.vector_load %arg15[%swap3A_133] {strides = array<i32>} : memref<2048xi32, #tpu.memory_space<vmem>>, vector<16xi32>,
      tpu.vector_store %arg15[%swap3A_133], %min3A_132 {strides = array<i32>} : memref<2048xi32, #tpu.memory_space<vmem>>, vector<16xi32>,
      %scan3A_135 = arith.constant 0 : i32
      scf.yield %scan3A_135 : i32
    }
    %scan3A_76 = arith.constant 128 : i32
    %dma_start3A = arith.constant 0 : i32
    %dma_start3A_77 = tpu.memref_slice %arg2[%dma_start3A] : memref<4194304xf32, #tpu.memory_space<hbm>> -> memref<4194304xf32, #tpu.memory_space<hbm>>
    tpu.enqueue_indirect_dma source(%dma_start3A_77 : memref<4194304xf32, #tpu.memory_space<hbm>>) target(%arg17 : memref<2048xf32, #tpu.memory_space<vmem>>) offsets(%arg15 : memref<2048xi32, #tpu.memory_space<vmem>>) semaphore(%arg20 : memref<!tpu.dma_semaphore, #tpu.memory_space<semaphore_mem>>)
    %dma_wait3A = arith.constant 0 : i32
    %dma_wait3A_78 = tpu.memref_slice %arg2[%dma_wait3A] : memref<4194304xf32, #tpu.memory_space<hbm>> -> memref<4194304xf32, #tpu.memory_space<hbm>>
    tpu.wait_indirect_dma semaphore(%arg20 : memref<!tpu.dma_semaphore, #tpu.memory_space<semaphore_mem>>) src(%dma_wait3A_78 : memref<4194304xf32, #tpu.memory_space<hbm>>) dst(%arg17 : memref<2048xf32, #tpu.memory_space<vmem>>)
    %mul3A_79 = arith.constant 2048 : i32
    %mul3A_80 = arith.muli %add3A, %mul3A_79 : i32
    "tpu.region"() ({
      %run_scoped3A = tpu.sem_alloc : memref<!tpu.dma_semaphore, #tpu.memory_space<semaphore_mem>>
      %dma_start3A_85 = tpu.memref_slice %arg6[%mul3A_80] : memref<65536xf32, #tpu.memory_space<hbm>> -> memref<2048xf32, #tpu.memory_space<hbm>>
      %dma_start3A_86 = tpu.memref_slice %arg6[%mul3A_80] : memref<65536xf32, #tpu.memory_space<hbm>> -> memref<2048xf32, #tpu.memory_space<hbm>>
      tpu.enqueue_dma source(%arg17 : memref<2048xf32, #tpu.memory_space<vmem>>) target(%dma_start3A_86 : memref<2048xf32, #tpu.memory_space<hbm>>) target_semaphore(%run_scoped3A : memref<!tpu.dma_semaphore, #tpu.memory_space<semaphore_mem>>)
      %dma_wait3A_87 = tpu.memref_slice %arg6[%mul3A_80] : memref<65536xf32, #tpu.memory_space<hbm>> -> memref<2048xf32, #tpu.memory_space<hbm>>
      %dma_wait3A_88 = tpu.memref_slice %arg6[%mul3A_80] : memref<65536xf32, #tpu.memory_space<hbm>> -> memref<2048xf32, #tpu.memory_space<hbm>>
      tpu.wait_dma2 semaphore(%run_scoped3A : memref<!tpu.dma_semaphore, #tpu.memory_space<semaphore_mem>>) src(%arg17 : memref<2048xf32, #tpu.memory_space<vmem>>) dst(%dma_wait3A_88 : memref<2048xf32, #tpu.memory_space<hbm>>)
      tpu.yield
    }) : () -> ()
    %mul3A_81 = arith.constant 2048 : i32
    %mul3A_82 = arith.muli %add3A, %mul3A_81 : i32
    "tpu.region"() ({
      %run_scoped3A = tpu.sem_alloc : memref<!tpu.dma_semaphore, #tpu.memory_space<semaphore_mem>>
      %dma_start3A_85 = tpu.memref_slice %arg7[%mul3A_82] : memref<65536xi32, #tpu.memory_space<hbm>> -> memref<2048xi32, #tpu.memory_space<hbm>>
      %dma_start3A_86 = tpu.memref_slice %arg7[%mul3A_82] : memref<65536xi32, #tpu.memory_space<hbm>> -> memref<2048xi32, #tpu.memory_space<hbm>>
      tpu.enqueue_dma source(%arg16 : memref<2048xi32, #tpu.memory_space<vmem>>) target(%dma_start3A_86 : memref<2048xi32, #tpu.memory_space<hbm>>) target_semaphore(%run_scoped3A : memref<!tpu.dma_semaphore, #tpu.memory_space<semaphore_mem>>)
      %dma_wait3A_87 = tpu.memref_slice %arg7[%mul3A_82] : memref<65536xi32, #tpu.memory_space<hbm>> -> memref<2048xi32, #tpu.memory_space<hbm>>
      %dma_wait3A_88 = tpu.memref_slice %arg7[%mul3A_82] : memref<65536xi32, #tpu.memory_space<hbm>> -> memref<2048xi32, #tpu.memory_space<hbm>>
      tpu.wait_dma2 semaphore(%run_scoped3A : memref<!tpu.dma_semaphore, #tpu.memory_space<semaphore_mem>>) src(%arg16 : memref<2048xi32, #tpu.memory_space<vmem>>) dst(%dma_wait3A_88 : memref<2048xi32, #tpu.memory_space<hbm>>)
      tpu.yield
    }) : () -> ()
    %mul3A_83 = arith.constant 2048 : i32
    %mul3A_84 = arith.muli %add3A, %mul3A_83 : i32
    "tpu.region"() ({
      %run_scoped3A = tpu.sem_alloc : memref<!tpu.dma_semaphore, #tpu.memory_space<semaphore_mem>>
      %dma_start3A_85 = tpu.memref_slice %arg8[%mul3A_84] : memref<65536xi32, #tpu.memory_space<hbm>> -> memref<2048xi32, #tpu.memory_space<hbm>>
      %dma_start3A_86 = tpu.memref_slice %arg8[%mul3A_84] : memref<65536xi32, #tpu.memory_space<hbm>> -> memref<2048xi32, #tpu.memory_space<hbm>>
      tpu.enqueue_dma source(%arg15 : memref<2048xi32, #tpu.memory_space<vmem>>) target(%dma_start3A_86 : memref<2048xi32, #tpu.memory_space<hbm>>) target_semaphore(%run_scoped3A : memref<!tpu.dma_semaphore, #tpu.memory_space<semaphore_mem>>)
      %dma_wait3A_87 = tpu.memref_slice %arg8[%mul3A_84] : memref<65536xi32, #tpu.memory_space<hbm>> -> memref<2048xi32, #tpu.memory_space<hbm>>
      %dma_wait3A_88 = tpu.memref_slice %arg8[%mul3A_84] : memref<65536xi32, #tpu.memory_space<hbm>> -> memref<2048xi32, #tpu.memory_space<hbm>>
      tpu.wait_dma2 semaphore(%run_scoped3A : memref<!tpu.dma_semaphore, #tpu.memory_space<semaphore_mem>>) src(%arg15 : memref<2048xi32, #tpu.memory_space<vmem>>) dst(%dma_wait3A_88 : memref<2048xi32, #tpu.memory_space<hbm>>)
      tpu.yield
    }) : () -> ()
    return
  }
}

</mosaic_0001>

<sc_bundles>
// kernel: kernel.4.cloned.1.call-start
scs
__scs_entry_jumppad:
0x0: {  	(pc) =	sbr.rel $0x88, $3  }
0x1: {  	(tag) =	ssettag $0x0;
	lr =	simm.s32 $0x1  }
0x2: {  	[smem:$0x3F9D] =	sst lr;
	_ =	strace $0xD0000000  }
0x3: {  	_ = 	snop  }
0x4: {  	_ = 	snop  }
0x5: {  	_ = 	snop  }
0x6: {  	_ = 	snop  }
0x7: {  	_ = 	snop  }
__scs_overlays_trampoline_lowered:
0x8: {  	[smem:$0x3FAC] =	sst s0  }
0x9: {  	[smem:$0x3FAD] =	sst s1  }
0xa: {  	[smem:$0x3FAE] =	sst s2  }
0xb: {  	[smem:$0x3FAF] =	sst s3  }
0xc: {  	[smem:$0x3FB0] =	sst s4  }
0xd: {  	[smem:$0x3FB1] =	sst s5  }
0xe: {  	[smem:$0x3FB2] =	sst s6  }
0xf: {  	[smem:$0x3FB3] =	sst s7  }
0x10: {  	[smem:$0x3FB4] =	sst s8  }
0x11: {  	[smem:$0x3FB5] =	sst s9;
	s0 =	simm.s32 @!p0 $0x0  }
0x12: {  	s1 =	sld [smem:$0x3F9B];
	s0 =	simm.s32 @p0 $0x1  }
0x13: {  	[smem:$0x3FB6] =	sst s0;
	s0 =	simm.s32 @!p1 $0x0  }
0x14: {  	s2 =	sld [smem:$0x3F9A];
	s0 =	simm.s32 @p1 $0x1  }
0x15: {  	[smem:$0x3FB7] =	sst s0;
	s0 =	simm.s32 @!p2 $0x0  }
0x16: {  	s3 =	sld [smem:$0x3FDB];
	s0 =	simm.s32 @p2 $0x1  }
0x17: {  	s4 =	simm.s32 $0x1BF5;
	[smem:$0x3FB9] =	sst s0  }
0x18: {  	s0 =	sld [smem:$0x3F9C];
	_ =	swait.ge [sflag:s4], $0x0  }
0x19: {  	s7 =	sld [smem:$0x3F9D]  }
0x1a: {  	s8 =	sadd.s32 $0xFFFFE003, lr  }
0x1b: {  	s9 =	sadd.s32 $0xFFFFFEF7, lr;
	s5 =	simm.s32 $0xFFFFFFFF;
	p2 =	slt.u32 s8, $0xFFFFF086  }
0x1c: {  	p1 =	slt.u32 s9, $0xF7A;
	s5 =	simm.s32 @!p2 $0x0  }
0x1d: {  	s5 =	simm.s32 @p1 $0x1;
	p0 =	seq.s32 s7, s2  }
0x1e: {  	s7 =	smul.u32 @!p0 $0xF7A, s2;
	p2 =	seq.s32 @!p0 s5, $0x0  }
0x1f: {  	s9 =	smul.u32 $0xF7A, s1;
	s8 =	simm.s32 @!p0 $0x1BF5;
	p2 =	por !p2, p0  }
0x20: {  	[sflag:s8] =	ssyncset.s32 @!p0 $0xFFFFF086;
	s6 =	sadd.s32 @!p0 s3, s7;
	s7 =	simm.s32 @!p0 $0x108  }
0x21: {  	s3 =	sadd.s32 s3, s9;
	s6 =	sadd.s32 @!p0 $0x88, s6;
	s7 =	simm.s32 @p2 $0x1082  }
0x22: {  	[simem:s7], [sflag:s8] =	dma.local @!p0 [hbm:s6], $0xF7A  }
0x23: {  	s9 =	sor.u32 $0xD0000000, s2;
	s6 =	simm.s32 $0x108;
	_ =	swait.ge @!p0 [sflag:s8], $0x0  }
0x24: {  	s3 =	sadd.s32 $0x88, s3;
	s6 =	simm.s32 @!p1 $0x1082;
	[sflag:s4] =	ssyncset.s32 $0xFFFFF086  }
0x25: {  	[simem:s6], [sflag:s4] =	dma.local [hbm:s3], $0xF7A  }
0x26: {  	[smem:$0x3F9D] =	sst s1;
	(tag) =	ssettag s2;
	_ =	strace s9  }
0x27: {  	s1 =	sld [smem:$0x3FAD]  }
0x28: {  	s2 =	sld [smem:$0x3FAE]  }
0x29: {  	s4 =	sld [smem:$0x3FB0]  }
0x2a: {  	p0 =	seq.s32 s5, $0x0;
	s5 =	sld [smem:$0x3FB1]  }
0x2b: {  	s6 =	sld [smem:$0x3FB2]  }
0x2c: {  	s7 =	sld [smem:$0x3FB3]  }
0x2d: {  	s3 =	simm.s32 $0x108;
	s8 =	sld [smem:$0x3FB4]  }
0x2e: {  	s3 =	simm.s32 @!p0 $0x1082;
	s9 =	sld [smem:$0x3FB5]  }
0x2f: {  	lr =	sadd.s32 s0, s3;
	s0 =	sld [smem:$0x3FAC]  }
0x30: {  	s3 =	sld [smem:$0x3FAF]  }
0x31: {  	[smem:$0x3FB8] =	sst s10  }
0x32: {  	s10 =	sld [smem:$0x3FB6];
	_ =	sdelay $0x3  }
0x33: {  	p0 =	seq.s32 s10, $0x1;
	s10 =	sld [smem:$0x3FB8];
	_ =	sdelay $0x3  }
0x34: {  	[smem:$0x3FB8] =	sst s10  }
0x35: {  	s10 =	sld [smem:$0x3FB7];
	_ =	sdelay $0x3  }
0x36: {  	p1 =	seq.s32 s10, $0x1;
	s10 =	sld [smem:$0x3FB8];
	_ =	sdelay $0x3  }
0x37: {  	[smem:$0x3FB8] =	sst s10  }
0x38: {  	s10 =	sld [smem:$0x3FB9]  }
0x39: {  	_ = 	snop;
	(pc) =	sbr.ind lr, $3  }
0x3a: {  	_ = 	snop  }
0x3b: {  	_ = 	snop  }
0x3c: {  	p2 =	seq.s32 s10, $0x1;
	s10 =	sld [smem:$0x3FB8]  }
0x3d: {  	_ =	shalt  }
0x3e: {  	_ =	shalt  }
0x3f: {  	_ =	shalt  }
0x40: {  	_ =	shalt  }
0x41: {  	_ =	shalt  }
0x42: {  	_ =	shalt  }
0x43: {  	_ =	shalt  }
0x44: {  	_ =	shalt  }
0x45: {  	_ =	shalt  }
0x46: {  	_ =	shalt  }
0x47: {  	_ =	shalt  }
0x48: {  	_ =	shalt  }
0x49: {  	_ =	shalt  }
0x4a: {  	_ =	shalt  }
0x4b: {  	_ =	shalt  }
0x4c: {  	_ =	shalt  }
0x4d: {  	_ =	shalt  }
0x4e: {  	_ =	shalt  }
0x4f: {  	_ =	shalt  }
0x50: {  	_ =	shalt  }
0x51: {  	_ =	shalt  }
0x52: {  	_ =	shalt  }
0x53: {  	_ =	shalt  }
0x54: {  	_ =	shalt  }
0x55: {  	_ =	shalt  }
0x56: {  	_ =	shalt  }
0x57: {  	_ =	shalt  }
0x58: {  	_ =	shalt  }
0x59: {  	_ =	shalt  }
0x5a: {  	_ =	shalt  }
0x5b: {  	_ =	shalt  }
0x5c: {  	_ =	shalt  }
0x5d: {  	_ =	shalt  }
0x5e: {  	_ =	shalt  }
0x5f: {  	_ =	shalt  }
0x60: {  	_ =	shalt  }
0x61: {  	_ =	shalt  }
0x62: {  	_ =	shalt  }
0x63: {  	_ =	shalt  }
0x64: {  	_ =	shalt  }
0x65: {  	_ =	shalt  }
0x66: {  	_ =	shalt  }
0x67: {  	_ =	shalt  }
0x68: {  	_ =	shalt  }
0x69: {  	_ =	shalt  }
0x6a: {  	_ =	shalt  }
0x6b: {  	_ =	shalt  }
0x6c: {  	_ =	shalt  }
0x6d: {  	_ =	shalt  }
0x6e: {  	_ =	shalt  }
0x6f: {  	_ =	shalt  }
0x70: {  	_ =	shalt  }
0x71: {  	_ =	shalt  }
0x72: {  	_ =	shalt  }
0x73: {  	_ =	shalt  }
0x74: {  	_ =	shalt  }
0x75: {  	_ =	shalt  }
0x76: {  	_ =	shalt  }
0x77: {  	_ =	shalt  }
0x78: {  	_ =	shalt  }
0x79: {  	_ =	shalt  }
0x7a: {  	_ =	shalt  }
0x7b: {  	_ =	shalt  }
0x7c: {  	_ =	shalt  }
0x7d: {  	_ =	shalt  }
0x7e: {  	_ =	shalt  }
0x7f: {  	_ =	shalt  }
0x80: {  	_ =	shalt  }
0x81: {  	_ =	shalt  }
0x82: {  	_ =	shalt  }
0x83: {  	_ =	shalt  }
0x84: {  	_ =	shalt  }
0x85: {  	_ =	shalt  }
0x86: {  	_ =	shalt  }
0x87: {  	_ =	shalt  }
.Lfunc_end0:
.L_simem_size_0:
called_computation_lowered:
.L_overlay_start_0:
0x88: {  	s2 =	sld [smem:$0x3FD9]  }
0x89: {  	s3 =	sld [smem:$0x3FFE];
	_ =	sdelay $0x1  }
0x8a: {  	s1 =	srdreg.scid  }
0x8b: {  	s0 =	sand.u32 $0x1, s1  }
0x8c: {  	s15 =	sshll.u32 s0, $0xA;
	s2 =	sadd.s32 s3, s2  }
0x8d: {  	s2 =	sadd.s32 s2, s15  }
0x8e: {  	[smem:$0x3FC4] =	sst s2  }
0x8f: {  	_ = 	snop  }
0x90: {  	s2 =	sld [smem:$0x3FC9]  }
0x91: {  	s16 =	sld [smem:$0x3FD0]  }
0x92: {  	s4 =	sld [smem:$0x3FC8]  }
0x93: {  	s5 =	sld [smem:$0x3FC7]  }
0x94: {  	s7 =	simm.s32 $0xA;
	s8 =	simm.s32 $0x10;
	s6 =	sld [smem:$0x3FC6]  }
0x95: {  	[smem:s8], [sflag:s7] =	dma.local [hbm:s16], $0x1  }
0x96: {  	_ =	swait.eq [sflag:s7], $0x1  }
0x97: {  	s17 =	sld [smem:$0x10];
	[sflag:s7] =	ssyncset.done $0x0  }
0x98: {  	s18 =	sld [smem:$0x11];
	[sflag:s7] =	ssyncadd.s32 $0xFFFFFFFF  }
0x99: {  	s19 =	sld [smem:$0x12];
	(tm) =	ssettm $0x1  }
0x9a: {  	s9 =	sld [smem:$0x3FFB];
	_ =	sdelay $0x3  }
0x9b: {  	_ =	strace s9  }
0x9c: {  	s9 =	sld [smem:$0x3FFC];
	_ =	sdelay $0x3  }
0x9d: {  	_ =	strace s9  }
0x9e: {  	s9 =	sld [smem:$0x3FFD];
	_ =	sdelay $0x3  }
0x9f: {  	_ =	strace s9  }
0xa0: {  	_ =	strace $0x8FFFFFFF  }
0xa1: {  	s20 =	sld [smem:$0x3FDB];
	_ =	sdelay $0x1  }
0xa2: {  	s10 =	simm.s32 $_scs_section_size  }
0xa3: {  	s11 =	simm.s32 $_size__tile_overlayer_lowered;
	s12 =	simm.s32 $_tile_overlayer_lowered  }
0xa4: {  	s23 =	simm.s32 $0x1BFF;
	s22 =	sshll.u32 s12, $0x1;
	s9 =	sadd.s32 s10, s20  }
0xa5: {  	s13 =	simm.s32 $0x0;
	s21 =	sshll.u32 s11, $0x1;
	s11 =	sadd.s32 s22, s9  }
0xa6: {  	[timem:s13], [sflag:s23] =	dma.local [hbm:s11], s21  }
0xa7: {  	_ =	swait.ge [sflag:s23], s21  }
0xa8: {  	s10 =	ssub.s32 $0x0, s21;
	[sflag:s23] =	ssyncset.done $0x0  }
0xa9: {  	[sflag:s23] =	ssyncadd.s32 s10;
	_ =	sdelay $0x1  }
0xaa: {  	s24 =	simm.s32 $0x1B8B  }
0xab: {  	_ =	swait.ge [sflag:s24], $0x1  }
0xac: {  	[sflag:s24] =	ssyncset.done $0x0  }
0xad: {  	s25 =	simm.s32 $0x1B8E;
	[sflag:s24] =	ssyncadd.s32 $0xFFFFFFFF  }
0xae: {  	s26 =	simm.s32 $execute0_lowered;
	[smem:$0x3FD2] =	sst s25  }
0xaf: {  	s10 =	sshll.u32 s26, $0x1;
	_ =	strace $0x80000046;
	[dreg:$0x1] =	wrdreg $0xFFFFFFFF  }
0xb0: {  	s28 =	simm.s32 $_size_execute0_lowered;
	s9 =	sadd.s32 s9, s10;
	[dreg:$0x0] =	wrdreg $0x0  }
0xb1: {  	s10 =	sshll.u32 s28, $0x1;
	[dreg:$0x2] =	wrdreg s9  }
0xb2: {  	[dreg:$0x3] =	wrdreg s10  }
0xb3: {  	[dreg:$0x4] =	wrdreg $0xC0  }
0xb4: {  	_ =	task [dreg:s13], $0x5FFFF  }
0xb5: {  	[dreg:$0x1] =	wrdreg $0xFFFFFFFF  }
0xb6: {  	[dreg:$0x0] =	wrdreg $0x60  }
0xb7: {  	[dreg:$0x2] =	wrdreg s2  }
0xb8: {  	[dreg:$0x3] =	wrdreg s4  }
0xb9: {  	[dreg:$0x4] =	wrdreg s5  }
0xba: {  	[dreg:$0x5] =	wrdreg s6  }
0xbb: {  	[dreg:$0x6] =	wrdreg s17  }
0xbc: {  	[dreg:$0x7] =	wrdreg s18  }
0xbd: {  	[dreg:$0x8] =	wrdreg s19  }
0xbe: {  	[dreg:$0x9] =	wrdreg $0x9  }
0xbf: {  	_ =	task.clear_ibuf [dreg:s13], $0xAFFFF;
	_ =	strace $0x90000046  }
0xc0: {  	s29 =	simm.s32 $0x9;
	_ =	strace $0x80000048  }
0xc1: {  	_ =	swait.ge [sflag:s29], $0x1  }
0xc2: {  	[sflag:s29] =	ssyncadd.s32 $0xFFFFFFFF  }
0xc3: {  	_ =	strace $0x90000048  }
0xc4: {  	_ =	sfence  }
0xc5: {  	s30 =	sld [smem:$0x0];
	_ =	sdelay $0x2  }
0xc6: {  	s31 =	sshll.u32 s1, $0xD;
	s1 =	sshrl.u32 s1, $0x2  }
0xc7: {  	s3 =	sand.u32 $0x4000, s31;
	s1 =	sadd.s32 s1, s30  }
0xc8: {  	s0 =	sor.u32 s3, s0;
	s1 =	sshll.u32 s1, $0x11  }
0xc9: {  	s0 =	sor.u32 s1, s0  }
0xca: {  	s0 =	sadd.s32 $0x8F2B, s0  }
0xcb: {  	[sflag:s0] =	ssyncadd.remote.s32 $0x1  }
0xcc: {  	_ =	sfence.sel $0xFFFF  }
0xcd: {  	[dreg:$0x0] =	wrdreg $0xFFFFFFFF;
	(pc) =	sbr.abs _section_cstart, $3  }
0xce: {  	[dreg:$0x1] =	wrdreg $0xFFFFFFFF  }
0xcf: {  	_ =	task.clear_ibuf [dreg:s13], $0x2FFFF;
	_ =	strace $0x9FFFFFFF  }
0xd0: {  	(tm) =	ssettm $0x7FFFFFFF  }
0xd1: {  	_ =	shalt  }
tec
execute0_lowered:
.L_overlay_start_1:
0x0: {  	(tag) =	ssettag $0x1  }
0x1: {  	s0 =	rddreg [dreg:$0x0]  }
0x2: {  	s2 =	rddreg [dreg:$0x1]  }
0x3: {  	s5 =	rddreg [dreg:$0x2]  }
0x4: {  	s6 =	rddreg [dreg:$0x3]  }
0x5: {  	s3 =	srdreg.scid;
	s8 =	rddreg [dreg:$0x4]  }
0x6: {  	s1 =	stileid.u32;
	s9 =	rddreg [dreg:$0x5]  }
0x7: {  	s11 =	rddreg [dreg:$0x6];
	s14 =	simm.s32 $0x880;
	s15 =	simm.s32 $0x5880  }
0x8: {  	v2 =	vimm.s32 $0xFFEDCBA9;
	s16 =	simm.s32 $0x6080;
	s17 =	simm.s32 $0x2080;
	s18 =	simm.s32 $0x800  }
0x9: {  	v3 =	vimm.s32 $0x87654321;
	s19 =	simm.s32 $0x4080;
	s20 =	simm.s32 $0x5080;
	s21 =	simm.s32 $0x4880  }
0xa: {  	vm0 =	vmmov $0x1;
	v4 =	vimm.s32 $0xEDCBA987;
	v5 =	vimm.s32 $0x65432100;
	s22 =	simm.s32 $0x0;
	s7 =	sand.u32 $0x1, s3;
	s30 =	sshll.u32 s1, $0xC  }
0xb: {  	vm1 =	vmmov $0xffff;
	s3 =	rddreg [dreg:$0x7];
	v2 =	vunpack.c.l.s4.s8 v2;
	v3 =	vunpack.c.l.s4.s8 v3;
	s4 =	sshll.u32 s7, $0xB;
	s7 =	ssub.s32 $0x2, s7  }
0xc: {  	vm2 =	vcmask $0x308;
	vm3 =	vcmask $0x3F3C;
	v4 =	vunpack.c.l.s4.s8 v4;
	s10 =	sor.u32 s4, s30;
	s4 =	simm.s32 $0x0;
	s31 =	sshrl.u32 s7, $0x1  }
.Ltmp0:
0xd: {  	v5 =	vunpack.c.l.s4.s8 v5;
	v6 =	vunpack.c.0.s8.s32 v2;
	v3 =	vunpack.c.0.s8.s32 v3;
	s12 =	sadd.s32 $0x800, s10;
	[smem:$0x7FF] =	sst s4;
	(pc) =	sbr.rel .LBB2_1-.Ltmp0, $4  }
0xe: {  	v2 =	vimm.s32 $0x0;
	v7 =	vunpack.c.0.s8.s32 v4;
	s13 =	sshrl.u32 s10, $0x3;
	v1 =	vmov s12;
	_ =	strace $0x80000047;
	s12 =	ssub.s32 s7, s31  }
0xf: {  	v4 =	vlaneseq.u32;
	s5 =	sadd.s32 s5, s13;
	s6 =	sadd.s32 s6, s13;
	s7 =	sadd.s32 s8, s13;
	v3 =	vcombine.low v3, v6;
	v6 =	vunpack.c.0.s8.s32 v5  }
0x10: {  	v0 =	vmov s10;
	s8 =	sadd.s32 s9, s13;
	s9 =	sadd.s32 s11, s13;
	s11 =	simm.s32 $0x1;
	v7 =	vand.u32 $0xF, v7;
	v5 =	vadd.s32 $0x1, v4  }
0x11: {  	s13 =	simm.s32 $0x2;
	v1 =	vsel vm0, s10, v1;
	s10 =	smax.u32 s12, $0x1;
	s12 =	simm.s32 $0x80;
	v6 =	vcombine.low v6, v7;
	v7 =	vimm.f32 $0.0e+00  }
.LBB2_26:
0x12: {  	[tilespmem:s20], [sflag:$0x1] =	stream.indirect.gather [hbm4b:s0+s18], $0x1, s19, s18, $0xb8;
	[tilespmem:$0x6880] =	vst v63  }
0x13: {  	_ =	swait.ge [sflag:s11], $0x800  }
0x14: {  	[sflag:s11] =	ssyncset.done $0x0  }
0x15: {  	[sflag:s11] =	ssyncadd.s32 $0xFFFFF800  }
0x16: {  	[hbm4b:s7+s4] =	stream.linear.scatter [tilespmem:s20], [sflag:$0x2], $0x800, $0x38;
	[tilespmem:$0x6880] =	vst v63  }
0x17: {  	_ =	swait.ge [sflag:s13], $0x800  }
0x18: {  	[sflag:s13] =	ssyncset.done $0x0  }
0x19: {  	[sflag:s13] =	ssyncadd.s32 $0xFFFFF800  }
0x1a: {  	[hbm4b:s8+s4] =	stream.linear.scatter [tilespmem:s21], [sflag:$0x2], $0x800, $0x38;
	[tilespmem:$0x6880] =	vst v63  }
0x1b: {  	s22 =	sadd.s32 $0x1, s22;
	_ =	swait.ge [sflag:s13], $0x800  }
0x1c: {  	p0 =	sne.s32 s22, s10;
	[sflag:s13] =	ssyncset.done $0x0  }
.Ltmp1:
0x1d: {  	[sflag:s13] =	ssyncadd.s32 $0xFFFFF800;
	(pc) =	sbr.rel @!p0 .LBB2_27-.Ltmp1, $4  }
0x1e: {  	[hbm4b:s9+s4] =	stream.linear.scatter [tilespmem:s19], [sflag:$0x2], $0x800, $0x38;
	[tilespmem:$0x6880] =	vst v63  }
0x1f: {  	_ =	swait.ge [sflag:s13], $0x800  }
0x20: {  	[sflag:s13] =	ssyncset.done $0x0  }
0x21: {  	[sflag:s13] =	ssyncadd.s32 $0xFFFFF800  }
.LBB2_1:
0x22: {  	v9 =	vimm.s32 $0x400000  }
0x23: {  	v8 =	vadd.s32 v2, v9  }
0x24: {  	v8 =	vshra.s32 v8, $0x1  }
0x25: {  	vm4 =	vlt.s32 v8, $0x3FFFFF  }
0x26: {  	v10 =	vnsel vm4, $0x3FFFFF, v8;
	_ =	sdelay $0x4  }
0x27: {  	[tilespmem:s4], [sflag:$0x1] =	stream.indirect_vreg.gather [hbm4b:s2+s4], $0x1, v10, vm1, $0xb8;
	[tilespmem:$0x6880] =	vst v63  }
0x28: {  	_ =	swait.ge [sflag:s11], $0x10  }
0x29: {  	[sflag:s11] =	ssyncset.done $0x0  }
0x2a: {  	[sflag:s11] =	ssyncadd.s32 $0xFFFFFFF0  }
0x2b: {  	v8 =	vld [tilespmem:$0x0];
	_ =	sdelay $0x4  }
0x2c: {  	vm4 =	vlt.s32 v2, v9;
	vm5 =	vlt.s32 v8, v1  }
0x2d: {  	v8 =	vadd.s32 $0x1, v10;
	vm5 =	vmand vm4, vm5  }
0x2e: {  	s23 =	simm.s32 $0x16;
	v8 =	vsel vm5, v8, v2;
	vm4 =	vmxor vm4, vm5  }
.LBB2_2:
0x2f: {  	p0 =	sne.s32 s23, $0x1;
	s23 =	sadd.s32 $0xFFFFFFFF, s23;
	v9 =	vsel vm4, v10, v9  }
0x30: {  	v10 =	vadd.s32 v8, v9  }
0x31: {  	v10 =	vshra.s32 v10, $0x1  }
0x32: {  	vm4 =	vlt.s32 v10, $0x3FFFFF  }
0x33: {  	v10 =	vnsel vm4, $0x3FFFFF, v10;
	_ =	sdelay $0x3  }
0x34: {  	s24 =	simm.s32 $0x0  }
0x35: {  	[tilespmem:s24], [sflag:$0x1] =	stream.indirect_vreg.gather [hbm4b:s2+s24], $0x1, v10, vm1, $0xb8;
	[tilespmem:$0x6880] =	vst v63  }
0x36: {  	_ =	swait.ge [sflag:s11], $0x10  }
0x37: {  	[sflag:s11] =	ssyncset.done $0x0  }
0x38: {  	[sflag:s11] =	ssyncadd.s32 $0xFFFFFFF0  }
0x39: {  	v11 =	vld [tilespmem:$0x0];
	_ =	sdelay $0x2  }
.Ltmp2:
0x3a: {  	(pc) =	sbr.rel @p0 .LBB2_2-.Ltmp2, $4  }
0x3b: {  	_ = 	snop  }
0x3c: {  	vm4 =	vlt.s32 v8, v9;
	vm5 =	vlt.s32 v11, v1  }
0x3d: {  	v11 =	vadd.s32 $0x1, v10;
	vm5 =	vmand vm4, vm5  }
0x3e: {  	v8 =	vsel vm5, v11, v8;
	vm4 =	vmxor vm4, vm5  }
0x3f: {  	s23 =	simm.s32 $0x40;
	s26 =	simm.s32 $0x0  }
.LBB2_4:
0x40: {  	p0 =	sne.s32 s23, $0x1FC0;
	[tilespmem:s26+$0x880] =	vst v2;
	s24 =	smov.u32 s23;
	s23 =	sadd.s32 $0x40, s23  }
.Ltmp3:
0x41: {  	(pc) =	sbr.rel @p0 .LBB2_4-.Ltmp3, $2  }
0x42: {  	_ =	sdelay $0x2  }
0x43: {  	s26 =	sshra.s32 s24, $0x2  }
0x44: {  	v9 =	vnsel vm0, $0xFFFFFFFF, v8  }
0x45: {  	v8 =	vsel vm2, $0xFFFFFFFF, v8;
	v9 =	vxor.u32 $0x80000000, v9  }
0x46: {  	v8 =	vxor.u32 $0x80000000, v8;
	(xrf0) =	vmax.scan.msk.u32 $0xffff, v9  }
0x47: {  	(xrf0) =	vmax.scan.msk.u32 $0xffff, v8;
	_ =	sdelay $0x4  }
0x48: {  	v8, _, _ =	vpop (xrf0)  }
0x49: {  	(v2sf) =	vpush v8, $0xF;
	v8, _, _ =	vpop (xrf0)  }
0x4a: {  	(v2sf) =	vpush v8, $0xF;
	_ =	sdelay $0xd  }
0x4b: {  	s23 =	spop (v2sf)  }
0x4c: {  	s23 =	sxor.u32 $0x80000000, s23;
	s24 =	spop (v2sf)  }
0x4d: {  	s24 =	sxor.u32 $0x80000000, s24;
	s25 =	sand.u32 $0xFFFFFFF8, s23  }
0x4e: {  	p0 =	sge.s32 s25, s24  }
.Ltmp4:
0x4f: {  	_ = 	snop;
	(pc) =	sbr.rel @p0 .LBB2_9-.Ltmp4, $2  }
0x50: {  	_ =	sdelay $0x2  }
0x51: {  	[tilespmem:s26+$0x880] =	vst v2  }
.LBB2_6:
0x52: {  	p0 =	slt.s32 s25, $0x3FF800;
	s26 =	smov.u32 s25  }
0x53: {  	s26 =	simm.s32 @!p0 $0x3FF800  }
0x54: {  	s28 =	sshrl.u32 s26, $0x3  }
0x55: {  	s29 =	simm.s32 $0x0;
	s28 =	sadd.s32 s2, s28  }
0x56: {  	[tilespmem:s12], [sflag:$0x2] =	stream.linear.gather [hbm4b:s28+s29], $0x800, $0x38;
	[tilespmem:$0x6880] =	vst v63  }
0x57: {  	_ =	swait.ge [sflag:s13], $0x800  }
0x58: {  	[sflag:s13] =	ssyncset.done $0x0  }
0x59: {  	s28 =	simm.s32 $0x0;
	[sflag:s13] =	ssyncadd.s32 $0xFFFFF800  }
0x5a: {  	v9 =	vld [tilespmem:s28+$0x80];
	_ =	sdelay $0x4  }
0x5b: {  	v10 =	vperm.xlane v9, v3  }
0x5c: {  	v8 =	vmov s25;
	v11 =	vadd.s32 s26, v4;
	v12 =	vsub.s32 v9, v0  }
0x5d: {  	vm6 =	vge.s32 v11, v8;
	vm5 =	vlt.u32 v12, $0x800;
	vm4 =	vne.s32 v10, v9  }
0x5e: {  	vm15 =	vgt.s32 v12, $0x0;
	vm5 =	vmand vm6, vm5;
	vm4 =	vmor vm4, vm3  }
0x5f: {  	v9 =	vnsel vm15, $0x0, v12;
	vm4 =	vmand vm4, vm5  }
0x60: {  	v9 =	vmin.u32 v9, $0x7FF;
	_ =	sdelay $0x3  }
0x61: {  	v10 =	vadd.s32 s26, v5  }
0x62: {  	s29 =	simm.s32 $0x10;
	s28 =	simm.s32 $0x80;
	[tilespmem:v9+s14+$0x0] =	vst.idx.msk vm4, v10  }
.LBB2_7:
0x63: {  	p0 =	sne.s32 s28, $0x1FC0;
	v9 =	vld [tilespmem:s29+$0x80];
	_ =	sdelay $0x4  }
0x64: {  	s26 =	sadd.s32 $0x10, s26;
	v10 =	vperm.xlane v9, v3  }
0x65: {  	v11 =	vadd.s32 s26, v4;
	v12 =	vsub.s32 v9, v0  }
0x66: {  	vm6 =	vge.s32 v11, v8;
	vm5 =	vlt.u32 v12, $0x800;
	vm4 =	vne.s32 v10, v9  }
0x67: {  	vm5 =	vmand vm6, vm5;
	vm6 =	vgt.s32 v12, $0x0;
	vm4 =	vmor vm4, vm3  }
0x68: {  	v9 =	vnsel vm6, $0x0, v12;
	vm4 =	vmand vm4, vm5  }
0x69: {  	v9 =	vmin.u32 v9, $0x7FF  }
.Ltmp5:
0x6a: {  	(pc) =	sbr.rel @p0 .LBB2_7-.Ltmp5, $3  }
0x6b: {  	_ =	sdelay $0x1  }
0x6c: {  	v10 =	vadd.s32 s26, v5  }
0x6d: {  	s29 =	sshra.s32 s28, $0x2;
	s28 =	sadd.s32 $0x40, s28;
	[tilespmem:v9+s14+$0x0] =	vst.idx.msk vm4, v10  }
0x6e: {  	v9 =	vld [tilespmem:s29+$0x80];
	_ =	sdelay $0x4  }
0x6f: {  	s26 =	sadd.s32 $0x10, s26;
	v10 =	vperm.xlane v9, v3  }
0x70: {  	v11 =	vadd.s32 s26, v4;
	v12 =	vsub.s32 v9, v0  }
0x71: {  	vm6 =	vge.s32 v11, v8;
	vm5 =	vlt.u32 v12, $0x800;
	vm4 =	vne.s32 v10, v9  }
0x72: {  	vm15 =	vgt.s32 v12, $0x0;
	vm5 =	vmand vm6, vm5;
	vm4 =	vmor vm4, vm3  }
0x73: {  	s25 =	sadd.s32 $0x800, s25;
	v8 =	vnsel vm15, $0x0, v12;
	vm4 =	vmand vm4, vm5  }
0x74: {  	p0 =	slt.s32 s25, s24;
	v8 =	vmin.u32 v8, $0x7FF  }
.Ltmp6:
0x75: {  	_ = 	snop;
	(pc) =	sbr.rel @p0 .LBB2_6-.Ltmp6, $3  }
0x76: {  	_ =	sdelay $0x1  }
0x77: {  	v63 =	vadd.s32 s26, v5  }
0x78: {  	[tilespmem:v8+s14+$0x0] =	vst.idx.msk vm4, v63  }
.LBB2_9:
0x79: {  	s24 =	simm.s32 $0x0  }
0x7a: {  	v8 =	vld [tilespmem:s24+$0x880];
	_ =	sdelay $0x4  }
0x7b: {  	v8 =	vxor.u32 $0x80000000, v8  }
0x7c: {  	(xrf0) =	vmax.scan.msk.u32 $0xffff, v8;
	_ =	sdelay $0x5  }
0x7d: {  	v8, _, _ =	vpop (xrf0)  }
0x7e: {  	v8 =	vxor.u32 $0x80000000, v8  }
0x7f: {  	vm4 =	vgt.s32 v8, s23  }
0x80: {  	v8 =	vnsel vm4, s23, v8  }
0x81: {  	v9 =	vxor.u32 $0x80000000, v8  }
0x82: {  	(xrf0) =	vmax.scan.msk.u32 $0xffff, v9;
	_ =	sdelay $0x4  }
0x83: {  	v62 =	vperm.xlane v8, v6  }
0x84: {  	vm4 =	veq.s32 v4, $0x0;
	v63, _, _ =	vpop (xrf0)  }
0x85: {  	v9 =	vsel vm4, s23, v62;
	(v2sf) =	vpush v63, $0xF  }
0x86: {  	[tilespmem:s24+$0x1080] =	vst v9;
	v8 =	vsub.s32 v8, v9  }
0x87: {  	s23 =	simm.s32 $0x10;
	[tilespmem:s24+$0x1880] =	vst v8;
	s24 =	simm.s32 $0x80  }
.LBB2_10:
0x88: {  	p0 =	sne.s32 s24, $0x1FC0;
	v8 =	vld [tilespmem:s23+$0x880];
	_ =	sdelay $0x4  }
0x89: {  	v8 =	vxor.u32 $0x80000000, v8  }
0x8a: {  	(xrf0) =	vmax.scan.msk.u32 $0xffff, v8;
	_ =	sdelay $0x5  }
0x8b: {  	v8, _, _ =	vpop (xrf0);
	s25 =	spop (v2sf)  }
0x8c: {  	v8 =	vxor.u32 $0x80000000, v8;
	s25 =	sxor.u32 $0x80000000, s25  }
0x8d: {  	vm5 =	vgt.s32 v8, s25  }
0x8e: {  	v8 =	vnsel vm5, s25, v8  }
0x8f: {  	v9 =	vperm.xlane v8, v6;
	v10 =	vxor.u32 $0x80000000, v8  }
0x90: {  	(xrf0) =	vmax.scan.msk.u32 $0xffff, v10  }
0x91: {  	v9 =	vsel vm4, s25, v9  }
0x92: {  	[tilespmem:s23+$0x1080] =	vst v9;
	v8 =	vsub.s32 v8, v9  }
0x93: {  	[tilespmem:s23+$0x1880] =	vst v8;
	_ =	sdelay $0x1  }
.Ltmp7:
0x94: {  	(pc) =	sbr.rel @p0 .LBB2_10-.Ltmp7, $3  }
0x95: {  	v8, _, _ =	vpop (xrf0)  }
0x96: {  	(v2sf) =	vpush v8, $0xF;
	_ =	sdelay $0x1  }
0x97: {  	s23 =	sshra.s32 s24, $0x2;
	s24 =	sadd.s32 $0x40, s24  }
0x98: {  	v8 =	vld [tilespmem:s23+$0x880];
	_ =	sdelay $0x4  }
0x99: {  	v8 =	vxor.u32 $0x80000000, v8  }
0x9a: {  	(xrf0) =	vmax.scan.msk.u32 $0xffff, v8;
	_ =	sdelay $0x5  }
0x9b: {  	v8, _, _ =	vpop (xrf0);
	s24 =	spop (v2sf)  }
0x9c: {  	v8 =	vxor.u32 $0x80000000, v8;
	s24 =	sxor.u32 $0x80000000, s24  }
0x9d: {  	vm4 =	vgt.s32 v8, s24  }
0x9e: {  	v8 =	vnsel vm4, s24, v8  }
0x9f: {  	v9 =	vxor.u32 $0x80000000, v8  }
0xa0: {  	(xrf0) =	vmax.scan.msk.u32 $0xffff, v9;
	_ =	sdelay $0x5  }
0xa1: {  	v9, _, _ =	vpop (xrf0)  }
0xa2: {  	(v2sf) =	vpush v9, $0xF;
	_ =	sdelay $0x8  }
0xa3: {  	v63 =	vperm.xlane v8, v6  }
0xa4: {  	vm4 =	veq.s32 v4, $0x0  }
0xa5: {  	v9 =	vsel vm4, s24, v63  }
0xa6: {  	[tilespmem:s23+$0x1080] =	vst v9;
	v8 =	vsub.s32 v8, v9  }
0xa7: {  	[tilespmem:s23+$0x1880] =	vst v8;
	s23 =	simm.s32 $0x0  }
0xa8: {  	[tilespmem:s15], [sflag:$0x2] =	stream.linear.gather [hbm4b:s5+s23], $0x800, $0x38;
	[tilespmem:$0x6880] =	vst v63  }
0xa9: {  	s31 =	spop (v2sf)  }
0xaa: {  	_ =	swait.ge [sflag:s13], $0x800  }
0xab: {  	[sflag:s13] =	ssyncset.done $0x0  }
.Ltmp8:
0xac: {  	[sflag:s13] =	ssyncadd.s32 $0xFFFFF800;
	(pc) =	sbr.rel .LBB2_12-.Ltmp8, $4  }
0xad: {  	[tilespmem:s16], [sflag:$0x2] =	stream.linear.gather [hbm4b:s6+s23], $0x800, $0x38;
	[tilespmem:$0x6880] =	vst v63  }
0xae: {  	_ =	swait.ge [sflag:s13], $0x800  }
0xaf: {  	[sflag:s13] =	ssyncset.done $0x0  }
0xb0: {  	[sflag:s13] =	ssyncadd.s32 $0xFFFFF800  }
.LBB2_25:
0xb1: {  	v11 =	vld [tilespmem:s24+$0x5880];
	_ =	sdelay $0x2  }
0xb2: {  	v12 =	vcvt.s32.f32 v9;
	_ =	sdelay $0x1  }
0xb3: {  	v11 =	vmul.f32 v12, v11  }
0xb4: {  	v62 =	vld [tilespmem:s24+$0x6080]  }
0xb5: {  	v63 =	vadd.s32 $0xFFFFFFFF, v9;
	v11 =	vtrunc.f32 v11  }
0xb6: {  	vm4 =	vgt.s32 v63, $0x0;
	v11 =	vcvt.f32.s32 v11  }
0xb7: {  	v9 =	vnsel vm4, $0x0, v63  }
0xb8: {  	vm4 =	vlt.s32 v11, v9  }
0xb9: {  	s23 =	sadd.s32 $0x1, s23;
	v9 =	vsel vm4, v11, v9;
	vm4 =	vgt.f32 v62, $1.000000010e-01  }
0xba: {  	p0 =	sne.s32 s23, $0x80;
	v9 =	vsel vm4, v10, v9  }
.Ltmp9:
0xbb: {  	v8 =	vadd.s32 v8, v9;
	(pc) =	sbr.rel @!p0 .LBB2_26-.Ltmp9, $4  }
0xbc: {  	vm4 =	vgt.s32 v8, $0x0  }
0xbd: {  	v8 =	vnsel vm4, $0x0, v8  }
0xbe: {  	[tilespmem:s24+$0x4880] =	vst v9;
	v8 =	vmin.u32 v8, $0x3FFFFF  }
0xbf: {  	[tilespmem:s24+$0x4080] =	vst v8  }
.LBB2_12:
0xc0: {  	s24 =	sshll.u32 s23, $0x4  }
0xc1: {  	v9 =	vld [tilespmem:s24+$0x1880];
	_ =	sdelay $0x4  }
0xc2: {  	vm4 =	vgt.s32 v9, $0x0  }
0xc3: {  	v8 =	vsel vm4, $0x3F800000, v7  }
0xc4: {  	(xrf0) =	vmax.scan.msk.f32 $0xffff, v8;
	_ =	sdelay $0x5  }
0xc5: {  	v8, _, _ =	vpop (xrf0)  }
0xc6: {  	(v2sf) =	vpush v8, $0xF;
	_ =	sdelay $0xe  }
0xc7: {  	s25 =	spop (v2sf)  }
0xc8: {  	v8 =	vld [tilespmem:s24+$0x1080];
	p0 =	sgt.f32 s25, $0.0e+00  }
.Ltmp10:
0xc9: {  	_ = 	snop;
	(pc) =	sbr.rel @!p0 .LBB2_25-.Ltmp10, $2  }
0xca: {  	_ =	sdelay $0x2  }
0xcb: {  	v10 =	vsub.s32 $0x3FFFFF, v8  }
0xcc: {  	v11 =	vxor.u32 $0x80000000, v8  }
0xcd: {  	(xrf0) =	vmin.scan.msk.u32 $0xffff, v11;
	_ =	sdelay $0x5  }
0xce: {  	v11, _, _ =	vpop (xrf0)  }
0xcf: {  	(v2sf) =	vpush v11, $0xF;
	_ =	sdelay $0xc  }
.Ltmp11:
0xd0: {  	_ = 	snop;
	(pc) =	sbr.rel .LBB2_14-.Ltmp11, $4  }
0xd1: {  	_ = 	snop  }
0xd2: {  	s25 =	spop (v2sf)  }
0xd3: {  	s25 =	sand.u32 $0xFFFFFFF8, s25  }
0xd4: {  	v15 =	vimm.s32 $0x0;
	v11 =	vimm.f32 $-Inf;
	s25 =	sxor.u32 $0x80000000, s25  }
.LBB2_16:
0xd5: {  	v21 =	vmov v11;
	v20 =	vmov v10;
	v16 =	vmov v14  }
.LBB2_23:
0xd6: {  	_ =	sdelay $0x2  }
0xd7: {  	v18 =	vsel @p1 vm5, v18, v21  }
0xd8: {  	v18 =	vpsel p1, v18, v11  }
0xd9: {  	v17 =	vld.idx.msk [tilespmem:v17+s17+$0x0], vm6;
	vm7 =	vgt.f32 @p0 v19, v18  }
0xda: {  	vm4 =	vmand @p0 vm4, vm7  }
0xdb: {  	v19 =	vpsel p0, v19, v0;
	vm4 =	vmmov @p0 vm4  }
0xdc: {  	v15 =	vsel @p1 vm5, v15, v20;
	vm5 =	vmmov vm6;
	v18 =	vsel @p0 vm4, v19, v18  }
0xdd: {  	v14 =	vpsel p0, v14, v0;
	v15 =	vpsel p1, v15, v10;
	v11 =	vpsel p0, v18, v11  }
0xde: {  	vm5 =	vmmov vm5;
	v14 =	vsel @p0 vm4, v14, v15;
	vm4 =	vgt.f32 v17, v11  }
0xdf: {  	v10 =	vpsel p0, v14, v10;
	vm4 =	vmand vm5, vm4  }
0xe0: {  	v11 =	vsel vm4, v17, v11;
	v10 =	vsel vm4, v16, v10  }
.LBB2_24:
0xe1: {  	vm4 =	vlt.s32 v13, v9  }
0xe2: {  	v13 =	vsel vm4, $0x3F800000, v7  }
0xe3: {  	(xrf0) =	vmax.scan.msk.f32 $0xffff, v13;
	_ =	sdelay $0x5  }
0xe4: {  	v13, _, _ =	vpop (xrf0)  }
0xe5: {  	(v2sf) =	vpush v13, $0xF;
	_ =	sdelay $0xe  }
0xe6: {  	s26 =	spop (v2sf)  }
0xe7: {  	p0 =	sgt.f32 s26, $0.0e+00  }
.Ltmp12:
0xe8: {  	_ = 	snop;
	(pc) =	sbr.rel @!p0 .LBB2_25-.Ltmp12, $2  }
0xe9: {  	_ =	sdelay $0x2  }
0xea: {  	s25 =	sadd.s32 $0x2000, s25;
	v15 =	vmov v12  }
.LBB2_14:
0xeb: {  	p0 =	slt.s32 s25, $0x3FE000;
	s28 =	smov.u32 s25  }
0xec: {  	s28 =	simm.s32 @!p0 $0x3FE000  }
0xed: {  	s26 =	sadd.s32 $0x2000, s28  }
0xee: {  	v12 =	vsub.s32 s26, v8  }
0xef: {  	vm4 =	vgt.s32 v12, $0x0  }
0xf0: {  	v13 =	vnsel vm4, $0x0, v12  }
0xf1: {  	s30 =	sshrl.u32 s28, $0x3;
	vm4 =	vlt.s32 v9, v13  }
0xf2: {  	s26 =	sadd.s32 s0, s30;
	v12 =	vsel vm4, v9, v13  }
0xf3: {  	[tilespmem:s17], [sflag:$0x2] =	stream.linear.gather [hbm4b:s26+s4], $0x2000, $0x38;
	v14 =	vsub.s32 v12, v15;
	[tilespmem:$0x6880] =	vst v63  }
0xf4: {  	_ =	swait.ge [sflag:s13], $0x2000;
	v14 =	vxor.u32 $0x80000000, v14  }
0xf5: {  	(xrf0) =	vmax.scan.msk.u32 $0xffff, v14;
	_ =	sdelay $0x5  }
0xf6: {  	v14, _, _ =	vpop (xrf0)  }
0xf7: {  	(v2sf) =	vpush v14, $0xF;
	_ =	sdelay $0xe  }
0xf8: {  	s31 =	spop (v2sf)  }
0xf9: {  	s26 =	sxor.u32 $0x80000000, s31  }
0xfa: {  	p0 =	slt.s32 s26, $0x1  }
.Ltmp13:
0xfb: {  	_ = 	snop;
	(pc) =	sbr.rel @p0 .LBB2_24-.Ltmp13, $3  }
0xfc: {  	_ =	sdelay $0x1  }
0xfd: {  	[sflag:s13] =	ssyncset.done $0x0  }
0xfe: {  	[sflag:s13] =	ssyncadd.s32 $0xFFFFE000  }
0xff: {  	v14 =	vmov s28  }
0x100: {  	v14 =	vsub.s32 $0x0, v14  }
0x101: {  	v14 =	vbroadcast v14, $0x0  }
0x102: {  	s28 =	simm.s32 $0x0;
	p2 =	sne.s32 s26, $0x1  }
.Ltmp14:
0x103: {  	v18 =	vadd.s32 v8, v14;
	v14 =	vadd.s32 s28, v15;
	(pc) =	sbr.rel @!p2 .LBB2_16-.Ltmp14, $4  }
0x104: {  	v16 =	vadd.s32 v14, v18  }
0x105: {  	vm4 =	vgt.s32 v16, $0x0  }
0x106: {  	v16 =	vnsel vm4, $0x0, v16  }
0x107: {  	p0 =	por $0x0, $0x0;
	p1 =	por $0x0, $0x0;
	s28 =	simm.s32 $0x1;
	vm6 =	vlt.s32 v14, v12;
	v17 =	vmin.u32 v16, $0x1FFF  }
0x108: {  	_ =	sdelay $0x1  }
0x109: {  	v16 =	vadd.s32 s28, v15  }
0x10a: {  	p2 =	sne.s32 s26, $0x2;
	v19 =	vadd.s32 v16, v18  }
.Ltmp15:
0x10b: {  	vm4 =	vgt.s32 v19, $0x0;
	(pc) =	sbr.rel @!p2 .LBB2_18-.Ltmp15, $3  }
0x10c: {  	v20 =	vnsel vm4, $0x0, v19;
	v19 =	vld.idx.msk [tilespmem:v17+s17+$0x0], vm6;
	_ =	sdelay $0x1  }
0x10d: {  	vm5 =	vmmov vm6  }
0x10e: {  	s28 =	simm.s32 $0x2;
	p0 =	por $0x1, $0x1;
	vm6 =	vlt.s32 v16, v12;
	vm4 =	vmmov vm5;
	v17 =	vmin.u32 v20, $0x1FFF  }
0x10f: {  	v23 =	vadd.s32 s28, v15  }
0x110: {  	p2 =	sne.s32 s26, $0x3;
	v20 =	vadd.s32 v23, v18  }
.Ltmp16:
0x111: {  	vm5 =	vgt.s32 v20, $0x0;
	(pc) =	sbr.rel @!p2 .LBB2_20-.Ltmp16, $3  }
0x112: {  	v20 =	vnsel vm5, $0x0, v20;
	_ =	sdelay $0x1  }
0x113: {  	vm8 =	vmmov vm6;
	v22 =	vld.idx.msk [tilespmem:v17+s17+$0x0], vm6;
	vm7 =	vgt.f32 v19, v11;
	vm6 =	vlt.s32 v23, v12  }
0x114: {  	s28 =	simm.s32 $0x3;
	p1 =	por $0x1, $0x1;
	v21 =	vmovc v11;
	vm5 =	vmand vm4, vm7;
	vm4 =	vmmov vm8;
	v17 =	vmin.u32 v20, $0x1FFF;
	v20 =	vmovc v10  }
.LBB2_21:
0x115: {  	s29 =	smov.u32 s28;
	s28 =	sadd.s32 $0x1, s28  }
0x116: {  	v21 =	vsel vm5, v19, v21;
	v20 =	vsel vm5, v14, v20;
	v14 =	vmovc v16;
	v16 =	vmovc v23;
	vm7 =	vmmov vm6;
	p2 =	sne.s32 s26, s28  }
.Ltmp17:
0x117: {  	v23 =	vadd.s32 s29, v15;
	(pc) =	sbr.rel @p2 .LBB2_21-.Ltmp17, $4  }
0x118: {  	v25 =	vadd.s32 v23, v18  }
0x119: {  	vm5 =	vgt.s32 v25, $0x0  }
0x11a: {  	v19 =	vmovc v22;
	v24 =	vnsel vm5, $0x0, v25;
	vm5 =	vgt.f32 v22, v21;
	v22 =	vld.idx.msk [tilespmem:v17+s17+$0x0], vm6;
	vm6 =	vlt.s32 v23, v12  }
0x11b: {  	v17 =	vmin.u32 v24, $0x1FFF;
	vm5 =	vmand vm4, vm5;
	vm4 =	vmmov vm7  }
.Ltmp18:
0x11c: {  	(pc) =	sbr.rel .LBB2_23-.Ltmp18, $2  }
0x11d: {  	_ =	sdelay $0x2  }
0x11e: {  	v15 =	vmovc v14;
	v18 =	vmovc v19;
	v14 =	vmov v16;
	v16 =	vmov v23;
	v19 =	vmov v22  }
.LBB2_18:
.Ltmp19:
0x11f: {  	(pc) =	sbr.rel .LBB2_23-.Ltmp19, $2  }
0x120: {  	_ =	sdelay $0x2  }
0x121: {  	v21 =	vmov v11;
	v20 =	vmov v10  }
.LBB2_20:
.Ltmp20:
0x122: {  	(pc) =	sbr.rel .LBB2_23-.Ltmp20, $3  }
0x123: {  	_ =	sdelay $0x1  }
0x124: {  	v15 =	vmov v14;
	v18 =	vmov v19  }
0x125: {  	v14 =	vmovc v16;
	v21 =	vmovc v11;
	v20 =	vmov v10;
	v16 =	vmov v23;
	v19 =	vmov v22  }
.LBB2_27:
0x126: {  	_ =	sfence.sel $0x180000  }
0x127: {  	[bflag:$0x0] =	sbarrier.arrive $0xFFFF  }
0x128: {  	p0 =	sne.s32 s1, $0x0;
	_ =	strace $0x90000047  }
0x129: {  	s0 =	sadd.s32 @!p0 $0x100000, s3;
	[bflag:$0x2] =	sbarrier.arrive $0xFFFF  }
0x12a: {  	[sflag:s0] =	ssyncadd.tile.s32 @!p0 $0x1;
	_ =	shalt  }
.Lfunc_end2:
_tile_overlayer_lowered:
.L_overlay_start_2:
0x12b: {  	(tag) =	ssettag $0x2  }
0x12c: {  	s0 =	rddreg [dreg:$0x0];
	s2 =	stileid.u32  }
0x12d: {  	s1 =	rddreg [dreg:$0x1];
	p0 =	sne.s32 s2, $0x0  }
0x12e: {  	s3 =	rddreg [dreg:$0x2];
	[bflag:$0x3] =	sbarrier.arrive $0xFFFF;
	s2 =	simm.s32 @!p0 $0x1C02  }
0x12f: {  	[timem:s3], [sflag:s2] =	dma.local @!p0 [hbm:s0], s1  }
0x130: {  	s0 =	simm.s32 @!p0 $0x2  }
0x131: {  	_ =	swait.ge @!p0 [sflag:s0], s1  }
0x132: {  	s1 =	ssub.s32 @!p0 $0x0, s1;
	[sflag:s0] =	ssyncset.done @!p0 $0x0  }
0x133: {  	[sflag:s0] =	ssyncadd.s32 @!p0 s1  }
0x134: {  	[bflag:$0x3] =	sbarrier.arrive $0xFFFF  }
0x135: {  	_ =	shalt  }

// kernel: kernel.7.cloned.1.call-start
scs
__scs_entry_jumppad:
0x0: {  	(pc) =	sbr.rel $0x88, $3  }
0x1: {  	(tag) =	ssettag $0x0;
	lr =	simm.s32 $0x1  }
0x2: {  	[smem:$0x3F9D] =	sst lr;
	_ =	strace $0xD0000000  }
0x3: {  	_ = 	snop  }
0x4: {  	_ = 	snop  }
0x5: {  	_ = 	snop  }
0x6: {  	_ = 	snop  }
0x7: {  	_ = 	snop  }
__scs_overlays_trampoline_lowered:
0x8: {  	[smem:$0x3FAC] =	sst s0  }
0x9: {  	[smem:$0x3FAD] =	sst s1  }
0xa: {  	[smem:$0x3FAE] =	sst s2  }
0xb: {  	[smem:$0x3FAF] =	sst s3  }
0xc: {  	[smem:$0x3FB0] =	sst s4  }
0xd: {  	[smem:$0x3FB1] =	sst s5  }
0xe: {  	[smem:$0x3FB2] =	sst s6  }
0xf: {  	[smem:$0x3FB3] =	sst s7  }
0x10: {  	[smem:$0x3FB4] =	sst s8  }
0x11: {  	[smem:$0x3FB5] =	sst s9;
	s0 =	simm.s32 @!p0 $0x0  }
0x12: {  	s1 =	sld [smem:$0x3F9B];
	s0 =	simm.s32 @p0 $0x1  }
0x13: {  	[smem:$0x3FB6] =	sst s0;
	s0 =	simm.s32 @!p1 $0x0  }
0x14: {  	s2 =	sld [smem:$0x3F9A];
	s0 =	simm.s32 @p1 $0x1  }
0x15: {  	[smem:$0x3FB7] =	sst s0;
	s0 =	simm.s32 @!p2 $0x0  }
0x16: {  	s3 =	sld [smem:$0x3FDB];
	s0 =	simm.s32 @p2 $0x1  }
0x17: {  	s4 =	simm.s32 $0x1BF5;
	[smem:$0x3FB9] =	sst s0  }
0x18: {  	s0 =	sld [smem:$0x3F9C];
	_ =	swait.ge [sflag:s4], $0x0  }
0x19: {  	s7 =	sld [smem:$0x3F9D]  }
0x1a: {  	s8 =	sadd.s32 $0xFFFFE003, lr  }
0x1b: {  	s9 =	sadd.s32 $0xFFFFFEF7, lr;
	s5 =	simm.s32 $0xFFFFFFFF;
	p2 =	slt.u32 s8, $0xFFFFF086  }
0x1c: {  	p1 =	slt.u32 s9, $0xF7A;
	s5 =	simm.s32 @!p2 $0x0  }
0x1d: {  	s5 =	simm.s32 @p1 $0x1;
	p0 =	seq.s32 s7, s2  }
0x1e: {  	s7 =	smul.u32 @!p0 $0xF7A, s2;
	p2 =	seq.s32 @!p0 s5, $0x0  }
0x1f: {  	s9 =	smul.u32 $0xF7A, s1;
	s8 =	simm.s32 @!p0 $0x1BF5;
	p2 =	por !p2, p0  }
0x20: {  	[sflag:s8] =	ssyncset.s32 @!p0 $0xFFFFF086;
	s6 =	sadd.s32 @!p0 s3, s7;
	s7 =	simm.s32 @!p0 $0x108  }
0x21: {  	s3 =	sadd.s32 s3, s9;
	s6 =	sadd.s32 @!p0 $0x88, s6;
	s7 =	simm.s32 @p2 $0x1082  }
0x22: {  	[simem:s7], [sflag:s8] =	dma.local @!p0 [hbm:s6], $0xF7A  }
0x23: {  	s9 =	sor.u32 $0xD0000000, s2;
	s6 =	simm.s32 $0x108;
	_ =	swait.ge @!p0 [sflag:s8], $0x0  }
0x24: {  	s3 =	sadd.s32 $0x88, s3;
	s6 =	simm.s32 @!p1 $0x1082;
	[sflag:s4] =	ssyncset.s32 $0xFFFFF086  }
0x25: {  	[simem:s6], [sflag:s4] =	dma.local [hbm:s3], $0xF7A  }
0x26: {  	[smem:$0x3F9D] =	sst s1;
	(tag) =	ssettag s2;
	_ =	strace s9  }
0x27: {  	s1 =	sld [smem:$0x3FAD]  }
0x28: {  	s2 =	sld [smem:$0x3FAE]  }
0x29: {  	s4 =	sld [smem:$0x3FB0]  }
0x2a: {  	p0 =	seq.s32 s5, $0x0;
	s5 =	sld [smem:$0x3FB1]  }
0x2b: {  	s6 =	sld [smem:$0x3FB2]  }
0x2c: {  	s7 =	sld [smem:$0x3FB3]  }
0x2d: {  	s3 =	simm.s32 $0x108;
	s8 =	sld [smem:$0x3FB4]  }
0x2e: {  	s3 =	simm.s32 @!p0 $0x1082;
	s9 =	sld [smem:$0x3FB5]  }
0x2f: {  	lr =	sadd.s32 s0, s3;
	s0 =	sld [smem:$0x3FAC]  }
0x30: {  	s3 =	sld [smem:$0x3FAF]  }
0x31: {  	[smem:$0x3FB8] =	sst s10  }
0x32: {  	s10 =	sld [smem:$0x3FB6];
	_ =	sdelay $0x3  }
0x33: {  	p0 =	seq.s32 s10, $0x1;
	s10 =	sld [smem:$0x3FB8];
	_ =	sdelay $0x3  }
0x34: {  	[smem:$0x3FB8] =	sst s10  }
0x35: {  	s10 =	sld [smem:$0x3FB7];
	_ =	sdelay $0x3  }
0x36: {  	p1 =	seq.s32 s10, $0x1;
	s10 =	sld [smem:$0x3FB8];
	_ =	sdelay $0x3  }
0x37: {  	[smem:$0x3FB8] =	sst s10  }
0x38: {  	s10 =	sld [smem:$0x3FB9]  }
0x39: {  	_ = 	snop;
	(pc) =	sbr.ind lr, $3  }
0x3a: {  	_ = 	snop  }
0x3b: {  	_ = 	snop  }
0x3c: {  	p2 =	seq.s32 s10, $0x1;
	s10 =	sld [smem:$0x3FB8]  }
0x3d: {  	_ =	shalt  }
0x3e: {  	_ =	shalt  }
0x3f: {  	_ =	shalt  }
0x40: {  	_ =	shalt  }
0x41: {  	_ =	shalt  }
0x42: {  	_ =	shalt  }
0x43: {  	_ =	shalt  }
0x44: {  	_ =	shalt  }
0x45: {  	_ =	shalt  }
0x46: {  	_ =	shalt  }
0x47: {  	_ =	shalt  }
0x48: {  	_ =	shalt  }
0x49: {  	_ =	shalt  }
0x4a: {  	_ =	shalt  }
0x4b: {  	_ =	shalt  }
0x4c: {  	_ =	shalt  }
0x4d: {  	_ =	shalt  }
0x4e: {  	_ =	shalt  }
0x4f: {  	_ =	shalt  }
0x50: {  	_ =	shalt  }
0x51: {  	_ =	shalt  }
0x52: {  	_ =	shalt  }
0x53: {  	_ =	shalt  }
0x54: {  	_ =	shalt  }
0x55: {  	_ =	shalt  }
0x56: {  	_ =	shalt  }
0x57: {  	_ =	shalt  }
0x58: {  	_ =	shalt  }
0x59: {  	_ =	shalt  }
0x5a: {  	_ =	shalt  }
0x5b: {  	_ =	shalt  }
0x5c: {  	_ =	shalt  }
0x5d: {  	_ =	shalt  }
0x5e: {  	_ =	shalt  }
0x5f: {  	_ =	shalt  }
0x60: {  	_ =	shalt  }
0x61: {  	_ =	shalt  }
0x62: {  	_ =	shalt  }
0x63: {  	_ =	shalt  }
0x64: {  	_ =	shalt  }
0x65: {  	_ =	shalt  }
0x66: {  	_ =	shalt  }
0x67: {  	_ =	shalt  }
0x68: {  	_ =	shalt  }
0x69: {  	_ =	shalt  }
0x6a: {  	_ =	shalt  }
0x6b: {  	_ =	shalt  }
0x6c: {  	_ =	shalt  }
0x6d: {  	_ =	shalt  }
0x6e: {  	_ =	shalt  }
0x6f: {  	_ =	shalt  }
0x70: {  	_ =	shalt  }
0x71: {  	_ =	shalt  }
0x72: {  	_ =	shalt  }
0x73: {  	_ =	shalt  }
0x74: {  	_ =	shalt  }
0x75: {  	_ =	shalt  }
0x76: {  	_ =	shalt  }
0x77: {  	_ =	shalt  }
0x78: {  	_ =	shalt  }
0x79: {  	_ =	shalt  }
0x7a: {  	_ =	shalt  }
0x7b: {  	_ =	shalt  }
0x7c: {  	_ =	shalt  }
0x7d: {  	_ =	shalt  }
0x7e: {  	_ =	shalt  }
0x7f: {  	_ =	shalt  }
0x80: {  	_ =	shalt  }
0x81: {  	_ =	shalt  }
0x82: {  	_ =	shalt  }
0x83: {  	_ =	shalt  }
0x84: {  	_ =	shalt  }
0x85: {  	_ =	shalt  }
0x86: {  	_ =	shalt  }
0x87: {  	_ =	shalt  }
.Lfunc_end0:
.L_simem_size_0:
called_computation.1_lowered:
.L_overlay_start_0:
0x88: {  	s2 =	sld [smem:$0x3FD9]  }
0x89: {  	s3 =	sld [smem:$0x3FFE];
	_ =	sdelay $0x1  }
0x8a: {  	s1 =	srdreg.scid  }
0x8b: {  	s0 =	sand.u32 $0x1, s1  }
0x8c: {  	s14 =	sshll.u32 s0, $0xA;
	s2 =	sadd.s32 s3, s2  }
0x8d: {  	s2 =	sadd.s32 s2, s14  }
0x8e: {  	[smem:$0x3FC4] =	sst s2  }
0x8f: {  	_ = 	snop  }
0x90: {  	s2 =	sld [smem:$0x3FD0];
	_ =	sdelay $0x2  }
0x91: {  	s15 =	simm.s32 $0xA;
	s4 =	simm.s32 $0x10  }
0x92: {  	[smem:s4], [sflag:s15] =	dma.local [hbm:s2], $0x1  }
0x93: {  	_ =	swait.eq [sflag:s15], $0x1  }
0x94: {  	[sflag:s15] =	ssyncset.done $0x0  }
0x95: {  	[sflag:s15] =	ssyncadd.s32 $0xFFFFFFFF  }
0x96: {  	s16 =	sld [smem:$0x12];
	(tm) =	ssettm $0x1  }
0x97: {  	s17 =	sld [smem:$0x3FFB];
	_ =	sdelay $0x3  }
0x98: {  	_ =	strace s17  }
0x99: {  	s3 =	sld [smem:$0x3FFC];
	_ =	sdelay $0x3  }
0x9a: {  	_ =	strace s3  }
0x9b: {  	s3 =	sld [smem:$0x3FFD];
	_ =	sdelay $0x3  }
0x9c: {  	_ =	strace s3  }
0x9d: {  	_ =	strace $0x8FFFFFFF  }
0x9e: {  	s18 =	sld [smem:$0x3FDB];
	_ =	sdelay $0x1  }
0x9f: {  	s19 =	simm.s32 $_scs_section_size  }
0xa0: {  	s5 =	simm.s32 $_size__tile_overlayer_lowered;
	s6 =	simm.s32 $_tile_overlayer_lowered  }
0xa1: {  	s22 =	simm.s32 $0x1BFF;
	s21 =	sshll.u32 s6, $0x1;
	s3 =	sadd.s32 s19, s18  }
0xa2: {  	s7 =	simm.s32 $0x0;
	s20 =	sshll.u32 s5, $0x1;
	s5 =	sadd.s32 s21, s3  }
0xa3: {  	[timem:s7], [sflag:s22] =	dma.local [hbm:s5], s20  }
0xa4: {  	_ =	swait.ge [sflag:s22], s20  }
0xa5: {  	s4 =	ssub.s32 $0x0, s20;
	[sflag:s22] =	ssyncset.done $0x0  }
0xa6: {  	[sflag:s22] =	ssyncadd.s32 s4;
	_ =	sdelay $0x1  }
0xa7: {  	s23 =	simm.s32 $0x1B8B  }
0xa8: {  	_ =	swait.ge [sflag:s23], $0x1  }
0xa9: {  	[sflag:s23] =	ssyncset.done $0x0  }
0xaa: {  	s25 =	simm.s32 $0x1B8E;
	s24 =	sld [smem:$0x3FFE];
	[sflag:s23] =	ssyncadd.s32 $0xFFFFFFFF  }
0xab: {  	s26 =	simm.s32 $execute0_lowered;
	[smem:$0x3FD2] =	sst s25  }
0xac: {  	s5 =	sshll.u32 s26, $0x1;
	_ =	strace $0x80000049;
	[dreg:$0x1] =	wrdreg $0xFFFFFFFF  }
0xad: {  	s28 =	simm.s32 $_size_execute0_lowered;
	s3 =	sadd.s32 s3, s5;
	[dreg:$0x0] =	wrdreg $0x0  }
0xae: {  	s5 =	sshll.u32 s28, $0x1;
	[dreg:$0x2] =	wrdreg s3  }
0xaf: {  	[dreg:$0x3] =	wrdreg s5  }
0xb0: {  	[dreg:$0x4] =	wrdreg $0xC0  }
0xb1: {  	_ =	task [dreg:s7], $0x5FFFF  }
0xb2: {  	[dreg:$0x1] =	wrdreg $0xFFFFFFFF  }
0xb3: {  	[dreg:$0x0] =	wrdreg $0x60  }
0xb4: {  	[dreg:$0x2] =	wrdreg s16  }
0xb5: {  	[dreg:$0x3] =	wrdreg s24  }
0xb6: {  	[dreg:$0x4] =	wrdreg $0x9  }
0xb7: {  	_ =	task.clear_ibuf [dreg:s7], $0x5FFFF;
	_ =	strace $0x90000049  }
0xb8: {  	s29 =	simm.s32 $0x9;
	_ =	strace $0x8000004B  }
0xb9: {  	_ =	swait.ge [sflag:s29], $0x1  }
0xba: {  	[sflag:s29] =	ssyncadd.s32 $0xFFFFFFFF  }
0xbb: {  	_ =	strace $0x9000004B  }
0xbc: {  	_ =	sfence  }
0xbd: {  	s30 =	sld [smem:$0x0];
	_ =	sdelay $0x2  }
0xbe: {  	s31 =	sshll.u32 s1, $0xD;
	s1 =	sshrl.u32 s1, $0x2  }
0xbf: {  	s3 =	sand.u32 $0x4000, s31;
	s1 =	sadd.s32 s1, s30  }
0xc0: {  	s0 =	sor.u32 s3, s0;
	s1 =	sshll.u32 s1, $0x11  }
0xc1: {  	s0 =	sor.u32 s1, s0  }
0xc2: {  	s0 =	sadd.s32 $0x8F2B, s0  }
0xc3: {  	[sflag:s0] =	ssyncadd.remote.s32 $0x1  }
0xc4: {  	_ =	sfence.sel $0xFFFF  }
0xc5: {  	[dreg:$0x0] =	wrdreg $0xFFFFFFFF;
	(pc) =	sbr.abs _section_cstart, $3  }
0xc6: {  	[dreg:$0x1] =	wrdreg $0xFFFFFFFF  }
0xc7: {  	_ =	task.clear_ibuf [dreg:s7], $0x2FFFF;
	_ =	strace $0x9FFFFFFF  }
0xc8: {  	(tm) =	ssettm $0x7FFFFFFF  }
0xc9: {  	_ =	shalt  }
tec
execute0_lowered:
.L_overlay_start_1:
0x0: {  	(tag) =	ssettag $0x1  }
0x1: {  	s1 =	rddreg [dreg:$0x0]  }
0x2: {  	s4 =	rddreg [dreg:$0x1]  }
0x3: {  	s3 =	srdreg.scid;
	s0 =	rddreg [dreg:$0x2];
	s2 =	simm.s32 $0x0  }
0x4: {  	s8 =	simm.s32 $0x1000;
	s9 =	simm.s32 $0x0;
	s5 =	sand.u32 $0x1, s3  }
0x5: {  	[smem:$0x7FF] =	sst s2;
	s3 =	stileid.u32;
	s6 =	ssub.s32 $0x2, s5  }
0x6: {  	s4 =	sadd.s32 $0xC00, s4;
	_ =	strace $0x8000004A;
	s7 =	sshrl.u32 s6, $0x1  }
0x7: {  	s31 =	sshll.u32 s3, $0x12;
	s5 =	sshll.u32 s5, $0x11;
	s6 =	ssub.s32 s6, s7  }
0x8: {  	v0 =	vimm.s32 $0x0;
	v1 =	vimm.s32 $0x1;
	s5 =	sor.u32 s5, s31;
	s7 =	simm.s32 $0x1;
	s6 =	smax.u32 s6, $0x1  }
.LBB2_1:
0x9: {  	s10 =	simm.s32 $0x0  }
.LBB2_2:
0xa: {  	s11 =	simm.s32 $0x1040  }
0xb: {  	[tilespmem:s11+$0xFFFFFFC0] =	vst v0  }
0xc: {  	[tilespmem:s11+$0x30] =	vst v0  }
0xd: {  	[tilespmem:s11+$0x20] =	vst v0  }
0xe: {  	[tilespmem:s11+$0x10] =	vst v0  }
0xf: {  	[tilespmem:s11+$0x0] =	vst v0  }
0x10: {  	[tilespmem:s11+$0xFFFFFFF0] =	vst v0  }
0x11: {  	s12 =	simm.s32 $0x0;
	[tilespmem:s11+$0xFFFFFFE0] =	vst v0  }
.LBB2_3:
0x12: {  	s12 =	sadd.s32 $0x8, s12;
	[tilespmem:s11+$0xFFFFFFD0] =	vst v0;
	s11 =	sadd.s32 $0x80, s11  }
0x13: {  	[tilespmem:s11+$0xFFFFFFC0] =	vst v0;
	p0 =	slt.u32 s12, $0x7F8  }
0x14: {  	[tilespmem:s11+$0x30] =	vst v0  }
.Ltmp0:
0x15: {  	[tilespmem:s11+$0x20] =	vst v0;
	(pc) =	sbr.rel @p0 .LBB2_3-.Ltmp0, $4  }
0x16: {  	[tilespmem:s11+$0x10] =	vst v0  }
0x17: {  	[tilespmem:s11+$0x0] =	vst v0  }
0x18: {  	[tilespmem:s11+$0xFFFFFFF0] =	vst v0  }
0x19: {  	[tilespmem:s11+$0xFFFFFFE0] =	vst v0  }
0x1a: {  	s31 =	sshll.u32 s10, $0xF  }
0x1b: {  	[tilespmem:s11+$0xFFFFFFD0] =	vst v0;
	s11 =	sadd.s32 s5, s31  }
0x1c: {  	s12 =	simm.s32 $0x0;
	v2 =	vmov s11  }
.LBB2_5:
0x1d: {  	s13 =	sshll.u32 s12, $0x9  }
0x1e: {  	s13 =	sadd.s32 s1, s13  }
0x1f: {  	[tilespmem:s2], [sflag:$0x1] =	stream.linear.gather [hbm4b:s13+s2], $0x1000, $0x38;
	[tilespmem:$0x9000] =	vst v63  }
0x20: {  	_ =	swait.ge [sflag:s7], $0x1000  }
0x21: {  	[sflag:s7] =	ssyncset.done $0x0  }
0x22: {  	s14 =	simm.s32 $0x20;
	s13 =	simm.s32 $0xFFFFFFFC;
	[sflag:s7] =	ssyncadd.s32 $0xFFFFF000  }
.LBB2_6:
0x23: {  	v3 =	vld [tilespmem:s14+$0xFFFFFFE0];
	_ =	sdelay $0x4  }
0x24: {  	v3 =	vsub.s32 v3, v2  }
0x25: {  	vm0 =	vgt.s32 v3, $0x0  }
0x26: {  	vm1 =	vlt.u32 v3, $0x8000;
	v3 =	vnsel vm0, $0x0, v3  }
0x27: {  	v3 =	vmin.u32 v3, $0x7FFF;
	_ =	sdelay $0x4  }
0x28: {  	[tilespmem:v3+s8+$0x0] =	vst.idx.msk vm1, v1  }
0x29: {  	v3 =	vld [tilespmem:s14+$0xFFFFFFF0];
	_ =	sdelay $0x4  }
0x2a: {  	v3 =	vsub.s32 v3, v2  }
0x2b: {  	vm10 =	vgt.s32 v3, $0x0  }
0x2c: {  	vm11 =	vlt.u32 v3, $0x8000;
	v3 =	vnsel vm10, $0x0, v3  }
0x2d: {  	v3 =	vmin.u32 v3, $0x7FFF;
	_ =	sdelay $0x4  }
0x2e: {  	[tilespmem:v3+s8+$0x0] =	vst.idx.msk vm11, v1  }
0x2f: {  	v3 =	vld [tilespmem:s14+$0x0];
	_ =	sdelay $0x4  }
0x30: {  	v3 =	vsub.s32 v3, v2  }
0x31: {  	vm12 =	vgt.s32 v3, $0x0  }
0x32: {  	vm13 =	vlt.u32 v3, $0x8000;
	v3 =	vnsel vm12, $0x0, v3  }
0x33: {  	v3 =	vmin.u32 v3, $0x7FFF;
	_ =	sdelay $0x4  }
0x34: {  	[tilespmem:v3+s8+$0x0] =	vst.idx.msk vm13, v1  }
0x35: {  	v3 =	vld [tilespmem:s14+$0x10];
	_ =	sdelay $0x4  }
0x36: {  	v3 =	vsub.s32 v3, v2  }
0x37: {  	vm14 =	vgt.s32 v3, $0x0  }
0x38: {  	s13 =	sadd.s32 $0x4, s13;
	vm15 =	vlt.u32 v3, $0x8000;
	v3 =	vnsel vm14, $0x0, v3  }
0x39: {  	p0 =	slt.u32 s13, $0xFC;
	v3 =	vmin.u32 v3, $0x7FFF  }
.Ltmp1:
0x3a: {  	_ = 	snop;
	(pc) =	sbr.rel @p0 .LBB2_6-.Ltmp1, $2  }
0x3b: {  	_ =	sdelay $0x2  }
0x3c: {  	s14 =	sadd.s32 $0x40, s14;
	[tilespmem:v3+s8+$0x0] =	vst.idx.msk vm15, v1  }
0x3d: {  	s12 =	sadd.s32 $0x1, s12  }
0x3e: {  	p0 =	sne.s32 s12, $0x10  }
.Ltmp2:
0x3f: {  	_ = 	snop;
	(pc) =	sbr.rel @p0 .LBB2_5-.Ltmp2, $1  }
0x40: {  	_ =	sdelay $0x3  }
0x41: {  	s10 =	sadd.s32 $0x1, s10  }
0x42: {  	s11 =	sshrl.u32 s11, $0x3;
	p0 =	sne.s32 s10, $0x4  }
.Ltmp3:
0x43: {  	s11 =	sadd.s32 s4, s11;
	(pc) =	sbr.rel @p0 .LBB2_2-.Ltmp3, $4  }
0x44: {  	[hbm4b:s11+s2] =	stream.linear.scatter [tilespmem:s8], [sflag:$0x1], $0x8000, $0x38;
	[tilespmem:$0x9000] =	vst v63  }
0x45: {  	_ =	swait.ge [sflag:s7], $0x8000  }
0x46: {  	[sflag:s7] =	ssyncset.done $0x0  }
0x47: {  	[sflag:s7] =	ssyncadd.s32 $0xFFFF8000  }
0x48: {  	s9 =	sadd.s32 $0x1, s9  }
0x49: {  	p0 =	sne.s32 s9, s6  }
.Ltmp4:
0x4a: {  	_ = 	snop;
	(pc) =	sbr.rel @p0 .LBB2_1-.Ltmp4, $1  }
0x4b: {  	_ =	sdelay $0x3  }
0x4c: {  	_ =	sfence.sel $0x180000  }
0x4d: {  	[bflag:$0x0] =	sbarrier.arrive $0xFFFF  }
0x4e: {  	p0 =	sne.s32 s3, $0x0;
	_ =	strace $0x9000004A  }
0x4f: {  	s0 =	sadd.s32 @!p0 $0x100000, s0;
	[bflag:$0x2] =	sbarrier.arrive $0xFFFF  }
0x50: {  	[sflag:s0] =	ssyncadd.tile.s32 @!p0 $0x1;
	_ =	shalt  }
.Lfunc_end2:
_tile_overlayer_lowered:
.L_overlay_start_2:
0x51: {  	(tag) =	ssettag $0x2  }
0x52: {  	s0 =	rddreg [dreg:$0x0];
	s2 =	stileid.u32  }
0x53: {  	s1 =	rddreg [dreg:$0x1];
	p0 =	sne.s32 s2, $0x0  }
0x54: {  	s3 =	rddreg [dreg:$0x2];
	[bflag:$0x3] =	sbarrier.arrive $0xFFFF;
	s2 =	simm.s32 @!p0 $0x1C01  }
0x55: {  	[timem:s3], [sflag:s2] =	dma.local @!p0 [hbm:s0], s1  }
0x56: {  	s0 =	simm.s32 @!p0 $0x1  }
0x57: {  	_ =	swait.ge @!p0 [sflag:s0], s1  }
0x58: {  	s1 =	ssub.s32 @!p0 $0x0, s1;
	[sflag:s0] =	ssyncset.done @!p0 $0x0  }
0x59: {  	[sflag:s0] =	ssyncadd.s32 @!p0 s1  }
0x5a: {  	[bflag:$0x3] =	sbarrier.arrive $0xFFFF  }
0x5b: {  	_ =	shalt  }

</sc_bundles>
